<compile_context>
chip_gen: v7x
topology: tpu7x:2x2x1
jax: 0.10.2.dev20260603
libtpu: 0.0.44.dev20260713+nightly
codegen_flags: <defaults>
</compile_context>

<pallas_src>
import functools

import jax
import jax.numpy as jnp
from jax import lax
from jax.experimental import pallas as pl
from jax.experimental.pallas import tpu as pltpu
from jax.experimental.pallas import tpu_sc as plsc

_D = 32
_C = 8192
_N = 8192
_TN = 1024
_NB = _N // _TN
_INT_MAX = jnp.iinfo(jnp.int32).max

_NUM_WORKERS = 32
_BW = _N // _NUM_WORKERS
_GCH = 128


_W = 2048
_NW_WIN = _C // _W


def _dist_argmin_body(x_ref, e_ref, z2_ref, e2_ref, idx_ref, acc_ref):
    i = pl.program_id(0)
    z2 = z2_ref[...]
    mm_full = lax.dot_general(
        e_ref[...], x_ref[...],
        dimension_numbers=(((1,), (1,)), ((), ())),
        preferred_element_type=jnp.float32,
    )
    iota0 = lax.broadcasted_iota(jnp.int32, (_W, _TN), 0)
    best_i = None
    best_v = None
    best_t = None
    for w in range(_NW_WIN):
        dist = (z2 - mm_full[w * _W:(w + 1) * _W, :]) + e2_ref[pl.ds(w * _W, _W), :]
        minv = jnp.min(dist, axis=0, keepdims=True)
        idx = jnp.min(jnp.where(dist == minv, iota0, _INT_MAX),
                      axis=0, keepdims=True) + w * _W
        minv_bf = minv.astype(jnp.bfloat16).astype(jnp.float32)
        if w == 0:
            best_i, best_v, best_t = idx, minv_bf, minv
        else:
            lt = minv < best_v
            best_i = jnp.where(lt, idx, best_i)
            best_t = jnp.where(lt, minv, best_t)
            best_v = jnp.where(lt, minv_bf, best_v)
    idx_ref[...] = best_i.reshape(1, 1, _TN)

    @pl.when(i == 0)
    def _():
        acc_ref[...] = jnp.zeros_like(acc_ref)

    acc_ref[...] = acc_ref[...] + jnp.sum(best_t).reshape(1, 1)

def _tc_dist_argmin(x_flat, embed_weight, z2, e2_t, n_blocks):
    return pl.pallas_call(
        _dist_argmin_body,
        grid=(n_blocks,),
        in_specs=[
            pl.BlockSpec((_TN, _D), lambda i: (i, 0)),
            pl.BlockSpec((_C, _D), lambda i: (0, 0)),
            pl.BlockSpec((1, _TN), lambda i: (0, i)),
            pl.BlockSpec((_C, 1), lambda i: (0, 0)),
        ],
        out_specs=[
            pl.BlockSpec((1, 1, _TN), lambda i: (i, 0, 0)),
            pl.BlockSpec((1, 1), lambda i: (0, 0)),
        ],
        out_shape=[
            jax.ShapeDtypeStruct((n_blocks, 1, _TN), jnp.int32),
            jax.ShapeDtypeStruct((1, 1), jnp.float32),
        ],
    )(x_flat, embed_weight, z2, e2_t)


def _sc_gather_body(bw, e_hbm, idx_hbm, x_hbm, out_hbm, idx_v, rows_v, x_v, sem):
    wid = lax.axis_index("s") * 2 + lax.axis_index("c")
    base = wid * bw
    pltpu.sync_copy(x_hbm.at[pl.ds(base, bw)], x_v)
    for k in range(bw // _GCH):
        pltpu.sync_copy(idx_hbm.at[pl.ds(base + k * _GCH, _GCH)], idx_v.at[k])
        pltpu.async_copy(
            e_hbm.at[idx_v.at[k]], rows_v.at[pl.ds(k * _GCH, _GCH)], sem
        ).wait()

    def body(t, carry):
        for c in range(_D // 16):
            sl = pl.ds(c * 16, 16)
            xv = x_v[t, sl]
            qv = rows_v[t, sl]
            rows_v[t, sl] = xv + (qv - xv)
        return carry

    lax.fori_loop(0, bw, body, 0)
    pltpu.sync_copy(rows_v, out_hbm.at[pl.ds(base, bw)])


@functools.cache
def _sc_gather(n):
    bw = n // _NUM_WORKERS
    return pl.kernel(
        functools.partial(_sc_gather_body, bw),
        out_type=jax.ShapeDtypeStruct((n, _D), jnp.float32),
        mesh=plsc.VectorSubcoreMesh(core_axis_name="c", subcore_axis_name="s"),
        scratch_types=[
            pltpu.VMEM((bw // _GCH, _GCH), jnp.int32),
            pltpu.VMEM((bw, _D), jnp.float32),
            pltpu.VMEM((bw, _D), jnp.float32),
            pltpu.SemaphoreType.DMA,
        ],
        compiler_params=pltpu.CompilerParams(use_tc_tiling_on_sc=False),
    )


def kernel(x, embed_weight):
    x_flat = x.reshape(-1, _D)
    z2_t = jnp.sum(x_flat ** 2, axis=1, keepdims=True).T
    e2_c = jnp.sum(embed_weight ** 2, axis=1, keepdims=True)
    xb2 = (2.0 * x_flat).astype(jnp.bfloat16)
    e_bf = embed_weight.astype(jnp.bfloat16)

    h = _N // 2
    hb = _NB // 2
    idx3_a, acc_a = _tc_dist_argmin(
        xb2[:h], e_bf, z2_t[:, :h], e2_c, hb)
    ind_a = idx3_a.reshape(-1)
    q_a = _sc_gather(h)(embed_weight, ind_a, x_flat[:h])
    idx3_b, acc_b = _tc_dist_argmin(
        xb2[h:], e_bf, z2_t[:, h:], e2_c, hb)
    ind_b = idx3_b.reshape(-1)
    q_b = _sc_gather(h)(embed_weight, ind_b, x_flat[h:])

    quantize_st = jnp.concatenate([q_a, q_b], axis=0)
    diff = (acc_a[0, 0] + acc_b[0, 0]) * (1.0 / float(_N * _D))
    ind_flat = jnp.concatenate([ind_a, ind_b], axis=0)
    embed_ind = ind_flat.reshape(x.shape[:-1])
    return (quantize_st.reshape(x.shape), diff, embed_ind)

# --- scband reference (transcript-rebuilt; emitter-appended) ---
"""Pipeline reference for scband-quantize-42013370090101 (READ-ONLY COPY).

The authoritative reference and input builder live on the scoring server;
editing this copy changes nothing except your own understanding.
"""

import jax, jax.numpy as jnp
import numpy as np

EMBED_DIM = 32
N_EMBED = 8192

def setup_inputs(seed: int = 0) -> dict:
    key = jax.random.key(seed)
    k1, k2 = jax.random.split(key)
    x = jax.random.normal(k1, (8, 1024, EMBED_DIM), dtype=jnp.float32)
    # nn.Embedding weight initialized uniform(-1/n_embed, 1/n_embed)
    embed_weight = jax.random.uniform(
        k2, (N_EMBED, EMBED_DIM), dtype=jnp.float32,
        minval=-1.0 / N_EMBED, maxval=1.0 / N_EMBED)
    return {"x": x, "embed_weight": embed_weight}

def reference(x, embed_weight):
    flatten = x.reshape(-1, EMBED_DIM)
    dist = (jnp.sum(flatten ** 2, axis=1, keepdims=True)
            - 2.0 * flatten @ embed_weight.T
            + jnp.sum(embed_weight ** 2, axis=1, keepdims=True).T)
    embed_ind_flat = jnp.argmax(-dist, axis=1)
    # one-hot scatter (computed in the torch module, unused in outputs)
    n = embed_ind_flat.shape[0]
    embed_onehot = jnp.zeros((n, N_EMBED), dtype=jnp.float32).at[
        jnp.arange(n), embed_ind_flat].set(1.0)
    embed_ind = embed_ind_flat.reshape(x.shape[:-1])
    quantize = jnp.take(embed_weight, embed_ind, axis=0)  # embedding lookup
    diff = jnp.mean((quantize - x) ** 2)
    quantize_st = x + jax.lax.stop_gradient(quantize - x)
    return (quantize_st, diff, embed_ind)

if __name__ == "__main__":
    import jax
    _d = setup_inputs()
    print(jax.jit(kernel)(*tuple(_d.values())))

</pallas_src>

<mosaic_0001>
#map = affine_map<(d0, d1) -> (0, 0)>
#map1 = affine_map<(d0, d1) -> (0)>
module attributes {stable_mosaic.version = 14 : i64} {
  func.func @_sc_gather_body(%arg0: i32, %arg1: i32, %arg2: memref<8192x32xf32, #tpu.memory_space<hbm>>, %arg3: memref<4096xi32, #tpu.memory_space<hbm>>, %arg4: memref<4096x32xf32, #tpu.memory_space<hbm>>, %arg5: memref<4096x32xf32, #tpu.memory_space<hbm>>, %arg6: memref<1x128xi32, #tpu.memory_space<vmem>>, %arg7: memref<128x32xf32, #tpu.memory_space<vmem>>, %arg8: memref<128x32xf32, #tpu.memory_space<vmem>>, %arg9: memref<!tpu.dma_semaphore, #tpu.memory_space<semaphore_mem>>) attributes {dimension_semantics = [#tpu.dimension_semantics<core_parallel>, #tpu.dimension_semantics<subcore_parallel>], iteration_bounds = array<i64: 2, 16>, scalar_prefetch = 0 : i64, scratch_operands = 4 : i64, tpu.core_type = #tpu.core_type<sc_vector_subcore>, window_params = [{transform_indices = #map}, {transform_indices = #map1}, {transform_indices = #map}, {transform_indices = #map}]} {
    %mul3A = arith.constant 2 : i32
    %mul3A_0 = arith.muli %arg1, %mul3A : i32
    %add3A = arith.addi %mul3A_0, %arg0 : i32
    %mul3A_1 = arith.constant 128 : i32
    %mul3A_2 = arith.muli %add3A, %mul3A_1 : i32
    "tpu.region"() ({
      %run_scoped3A_28 = tpu.sem_alloc : memref<!tpu.dma_semaphore, #tpu.memory_space<semaphore_mem>>
      %dma_start3A_29 = arith.constant 0 : i32
      %dma_start3A_30 = tpu.memref_slice %arg4[%mul3A_2, %dma_start3A_29] : memref<4096x32xf32, #tpu.memory_space<hbm>> -> memref<128x32xf32, #tpu.memory_space<hbm>>
      %dma_start3A_31 = arith.constant 0 : i32
      %dma_start3A_32 = tpu.memref_slice %arg4[%mul3A_2, %dma_start3A_31] : memref<4096x32xf32, #tpu.memory_space<hbm>> -> memref<128x32xf32, #tpu.memory_space<hbm>>
      tpu.enqueue_dma source(%dma_start3A_32 : memref<128x32xf32, #tpu.memory_space<hbm>>) target(%arg8 : memref<128x32xf32, #tpu.memory_space<vmem>>) target_semaphore(%run_scoped3A_28 : memref<!tpu.dma_semaphore, #tpu.memory_space<semaphore_mem>>)
      %dma_wait3A_33 = arith.constant 0 : i32
      %dma_wait3A_34 = tpu.memref_slice %arg4[%mul3A_2, %dma_wait3A_33] : memref<4096x32xf32, #tpu.memory_space<hbm>> -> memref<128x32xf32, #tpu.memory_space<hbm>>
      %dma_wait3A_35 = arith.constant 0 : i32
      %dma_wait3A_36 = tpu.memref_slice %arg4[%mul3A_2, %dma_wait3A_35] : memref<4096x32xf32, #tpu.memory_space<hbm>> -> memref<128x32xf32, #tpu.memory_space<hbm>>
      tpu.wait_dma2 semaphore(%run_scoped3A_28 : memref<!tpu.dma_semaphore, #tpu.memory_space<semaphore_mem>>) src(%dma_wait3A_36 : memref<128x32xf32, #tpu.memory_space<hbm>>) dst(%arg8 : memref<128x32xf32, #tpu.memory_space<vmem>>)
      tpu.yield
    }) : () -> ()
    %add3A_3 = arith.constant 0 : i32
    %add3A_4 = arith.addi %mul3A_2, %add3A_3 : i32
    %run_scoped3A = arith.constant 0 : i32
    "tpu.region"() ({
      %run_scoped3A_28 = tpu.sem_alloc : memref<!tpu.dma_semaphore, #tpu.memory_space<semaphore_mem>>
      %dma_start3A_29 = arith.constant 0 : i32
      %dma_start3A_30 = tpu.memref_slice %arg6[%run_scoped3A, %dma_start3A_29] : memref<1x128xi32, #tpu.memory_space<vmem>> -> memref<1x128xi32, #tpu.memory_space<vmem>>
      %dma_start3A_31 = tpu.memref_squeeze %dma_start3A_30 : memref<1x128xi32, #tpu.memory_space<vmem>> -> memref<128xi32, #tpu.memory_space<vmem>>
      %dma_start3A_32 = tpu.memref_slice %arg3[%add3A_4] : memref<4096xi32, #tpu.memory_space<hbm>> -> memref<128xi32, #tpu.memory_space<hbm>>
      %dma_start3A_33 = arith.constant 0 : i32
      %dma_start3A_34 = tpu.memref_slice %arg6[%run_scoped3A, %dma_start3A_33] : memref<1x128xi32, #tpu.memory_space<vmem>> -> memref<1x128xi32, #tpu.memory_space<vmem>>
      %dma_start3A_35 = tpu.memref_squeeze %dma_start3A_34 : memref<1x128xi32, #tpu.memory_space<vmem>> -> memref<128xi32, #tpu.memory_space<vmem>>
      %dma_start3A_36 = tpu.memref_slice %arg3[%add3A_4] : memref<4096xi32, #tpu.memory_space<hbm>> -> memref<128xi32, #tpu.memory_space<hbm>>
      tpu.enqueue_dma source(%dma_start3A_36 : memref<128xi32, #tpu.memory_space<hbm>>) target(%dma_start3A_35 : memref<128xi32, #tpu.memory_space<vmem>>) target_semaphore(%run_scoped3A_28 : memref<!tpu.dma_semaphore, #tpu.memory_space<semaphore_mem>>)
      %dma_wait3A_37 = arith.constant 0 : i32
      %dma_wait3A_38 = tpu.memref_slice %arg6[%run_scoped3A, %dma_wait3A_37] : memref<1x128xi32, #tpu.memory_space<vmem>> -> memref<1x128xi32, #tpu.memory_space<vmem>>
      %dma_wait3A_39 = tpu.memref_squeeze %dma_wait3A_38 : memref<1x128xi32, #tpu.memory_space<vmem>> -> memref<128xi32, #tpu.memory_space<vmem>>
      %dma_wait3A_40 = tpu.memref_slice %arg3[%add3A_4] : memref<4096xi32, #tpu.memory_space<hbm>> -> memref<128xi32, #tpu.memory_space<hbm>>
      %dma_wait3A_41 = arith.constant 0 : i32
      %dma_wait3A_42 = tpu.memref_slice %arg6[%run_scoped3A, %dma_wait3A_41] : memref<1x128xi32, #tpu.memory_space<vmem>> -> memref<1x128xi32, #tpu.memory_space<vmem>>
      %dma_wait3A_43 = tpu.memref_squeeze %dma_wait3A_42 : memref<1x128xi32, #tpu.memory_space<vmem>> -> memref<128xi32, #tpu.memory_space<vmem>>
      %dma_wait3A_44 = tpu.memref_slice %arg3[%add3A_4] : memref<4096xi32, #tpu.memory_space<hbm>> -> memref<128xi32, #tpu.memory_space<hbm>>
      tpu.wait_dma2 semaphore(%run_scoped3A_28 : memref<!tpu.dma_semaphore, #tpu.memory_space<semaphore_mem>>) src(%dma_wait3A_44 : memref<128xi32, #tpu.memory_space<hbm>>) dst(%dma_wait3A_43 : memref<128xi32, #tpu.memory_space<vmem>>)
      tpu.yield
    }) : () -> ()
    %dma_start3A = arith.constant 0 : i32
    %dma_start3A_5 = arith.constant 0 : i32
    %dma_start3A_6 = arith.constant 0 : i32
    %dma_start3A_7 = tpu.memref_slice %arg7[%dma_start3A_5, %dma_start3A_6] : memref<128x32xf32, #tpu.memory_space<vmem>> -> memref<128x32xf32, #tpu.memory_space<vmem>>
    %dma_start3A_8 = arith.constant 0 : i32
    %dma_start3A_9 = tpu.memref_slice %arg6[%dma_start3A, %dma_start3A_8] : memref<1x128xi32, #tpu.memory_space<vmem>> -> memref<1x128xi32, #tpu.memory_space<vmem>>
    %dma_start3A_10 = tpu.memref_squeeze %dma_start3A_9 : memref<1x128xi32, #tpu.memory_space<vmem>> -> memref<128xi32, #tpu.memory_space<vmem>>
    %dma_start3A_11 = arith.constant 0 : i32
    %dma_start3A_12 = arith.constant 0 : i32
    %dma_start3A_13 = tpu.memref_slice %arg2[%dma_start3A_11, %dma_start3A_12] : memref<8192x32xf32, #tpu.memory_space<hbm>> -> memref<8192x32xf32, #tpu.memory_space<hbm>>
    tpu.enqueue_indirect_dma source(%dma_start3A_13 : memref<8192x32xf32, #tpu.memory_space<hbm>>) target(%dma_start3A_7 : memref<128x32xf32, #tpu.memory_space<vmem>>) offsets(%dma_start3A_10 : memref<128xi32, #tpu.memory_space<vmem>>) semaphore(%arg9 : memref<!tpu.dma_semaphore, #tpu.memory_space<semaphore_mem>>)
    %dma_wait3A = arith.constant 0 : i32
    %dma_wait3A_14 = arith.constant 0 : i32
    %dma_wait3A_15 = arith.constant 0 : i32
    %dma_wait3A_16 = tpu.memref_slice %arg7[%dma_wait3A_14, %dma_wait3A_15] : memref<128x32xf32, #tpu.memory_space<vmem>> -> memref<128x32xf32, #tpu.memory_space<vmem>>
    %dma_wait3A_17 = arith.constant 0 : i32
    %dma_wait3A_18 = tpu.memref_slice %arg6[%dma_wait3A, %dma_wait3A_17] : memref<1x128xi32, #tpu.memory_space<vmem>> -> memref<1x128xi32, #tpu.memory_space<vmem>>
    %dma_wait3A_19 = tpu.memref_squeeze %dma_wait3A_18 : memref<1x128xi32, #tpu.memory_space<vmem>> -> memref<128xi32, #tpu.memory_space<vmem>>
    %dma_wait3A_20 = arith.constant 0 : i32
    %dma_wait3A_21 = arith.constant 0 : i32
    %dma_wait3A_22 = tpu.memref_slice %arg2[%dma_wait3A_20, %dma_wait3A_21] : memref<8192x32xf32, #tpu.memory_space<hbm>> -> memref<8192x32xf32, #tpu.memory_space<hbm>>
    tpu.wait_indirect_dma semaphore(%arg9 : memref<!tpu.dma_semaphore, #tpu.memory_space<semaphore_mem>>) src(%dma_wait3A_22 : memref<8192x32xf32, #tpu.memory_space<hbm>>) dst(%dma_wait3A_16 : memref<128x32xf32, #tpu.memory_space<vmem>>)
    %scan3A = arith.constant 0 : i32
    %scan3A_23 = arith.constant 0 : i32
    %scan3A_24 = arith.constant 128 : i32
    %scan3A_25 = arith.addi %scan3A_23, %scan3A_24 : i32
    %scan3A_26 = arith.constant 1 : i32
    scf.for %scan3A_28 = %scan3A_23 to %scan3A_25 step %scan3A_26  : i32 {
      %get3A = arith.index_cast %scan3A_28 : i32 to index
      %get3A_29 = arith.constant 0 : index
      %get3A_30 = tpu.vector_load %arg8[%get3A, %get3A_29] {strides = array<i32>} : memref<128x32xf32, #tpu.memory_space<vmem>>, vector<1x16xf32>,
      %get3A_31 = vector.shape_cast %get3A_30 : vector<1x16xf32> to vector<16xf32>
      %get3A_32 = arith.index_cast %scan3A_28 : i32 to index
      %get3A_33 = arith.constant 0 : index
      %get3A_34 = tpu.vector_load %arg7[%get3A_32, %get3A_33] {strides = array<i32>} : memref<128x32xf32, #tpu.memory_space<vmem>>, vector<1x16xf32>,
      %get3A_35 = vector.shape_cast %get3A_34 : vector<1x16xf32> to vector<16xf32>
      %sub3A = arith.subf %get3A_35, %get3A_31 : vector<16xf32>
      %add3A_36 = arith.addf %get3A_31, %sub3A : vector<16xf32>
      %swap3A = arith.index_cast %scan3A_28 : i32 to index
      %swap3A_37 = arith.constant 0 : index
      %swap3A_38 = tpu.vector_load %arg7[%swap3A, %swap3A_37] {strides = array<i32>} : memref<128x32xf32, #tpu.memory_space<vmem>>, vector<1x16xf32>,
      %swap3A_39 = vector.shape_cast %swap3A_38 : vector<1x16xf32> to vector<16xf32>
      %swap3A_40 = vector.shape_cast %add3A_36 : vector<16xf32> to vector<1x16xf32>
      tpu.vector_store %arg7[%swap3A, %swap3A_37], %swap3A_40 {strides = array<i32>} : memref<128x32xf32, #tpu.memory_space<vmem>>, vector<1x16xf32>,
      %get3A_41 = arith.index_cast %scan3A_28 : i32 to index
      %get3A_42 = arith.constant 16 : index
      %get3A_43 = tpu.vector_load %arg8[%get3A_41, %get3A_42] {strides = array<i32>} : memref<128x32xf32, #tpu.memory_space<vmem>>, vector<1x16xf32>,
      %get3A_44 = vector.shape_cast %get3A_43 : vector<1x16xf32> to vector<16xf32>
      %get3A_45 = arith.index_cast %scan3A_28 : i32 to index
      %get3A_46 = arith.constant 16 : index
      %get3A_47 = tpu.vector_load %arg7[%get3A_45, %get3A_46] {strides = array<i32>} : memref<128x32xf32, #tpu.memory_space<vmem>>, vector<1x16xf32>,
      %get3A_48 = vector.shape_cast %get3A_47 : vector<1x16xf32> to vector<16xf32>
      %sub3A_49 = arith.subf %get3A_48, %get3A_44 : vector<16xf32>
      %add3A_50 = arith.addf %get3A_44, %sub3A_49 : vector<16xf32>
      %swap3A_51 = arith.index_cast %scan3A_28 : i32 to index
      %swap3A_52 = arith.constant 16 : index
      %swap3A_53 = tpu.vector_load %arg7[%swap3A_51, %swap3A_52] {strides = array<i32>} : memref<128x32xf32, #tpu.memory_space<vmem>>, vector<1x16xf32>,
      %swap3A_54 = vector.shape_cast %swap3A_53 : vector<1x16xf32> to vector<16xf32>
      %swap3A_55 = vector.shape_cast %add3A_50 : vector<16xf32> to vector<1x16xf32>
      tpu.vector_store %arg7[%swap3A_51, %swap3A_52], %swap3A_55 {strides = array<i32>} : memref<128x32xf32, #tpu.memory_space<vmem>>, vector<1x16xf32>,
    }
    %scan3A_27 = arith.constant 128 : i32
    "tpu.region"() ({
      %run_scoped3A_28 = tpu.sem_alloc : memref<!tpu.dma_semaphore, #tpu.memory_space<semaphore_mem>>
      %dma_start3A_29 = arith.constant 0 : i32
      %dma_start3A_30 = tpu.memref_slice %arg5[%mul3A_2, %dma_start3A_29] : memref<4096x32xf32, #tpu.memory_space<hbm>> -> memref<128x32xf32, #tpu.memory_space<hbm>>
      %dma_start3A_31 = arith.constant 0 : i32
      %dma_start3A_32 = tpu.memref_slice %arg5[%mul3A_2, %dma_start3A_31] : memref<4096x32xf32, #tpu.memory_space<hbm>> -> memref<128x32xf32, #tpu.memory_space<hbm>>
      tpu.enqueue_dma source(%arg7 : memref<128x32xf32, #tpu.memory_space<vmem>>) target(%dma_start3A_32 : memref<128x32xf32, #tpu.memory_space<hbm>>) target_semaphore(%run_scoped3A_28 : memref<!tpu.dma_semaphore, #tpu.memory_space<semaphore_mem>>)
      %dma_wait3A_33 = arith.constant 0 : i32
      %dma_wait3A_34 = tpu.memref_slice %arg5[%mul3A_2, %dma_wait3A_33] : memref<4096x32xf32, #tpu.memory_space<hbm>> -> memref<128x32xf32, #tpu.memory_space<hbm>>
      %dma_wait3A_35 = arith.constant 0 : i32
      %dma_wait3A_36 = tpu.memref_slice %arg5[%mul3A_2, %dma_wait3A_35] : memref<4096x32xf32, #tpu.memory_space<hbm>> -> memref<128x32xf32, #tpu.memory_space<hbm>>
      tpu.wait_dma2 semaphore(%run_scoped3A_28 : memref<!tpu.dma_semaphore, #tpu.memory_space<semaphore_mem>>) src(%arg7 : memref<128x32xf32, #tpu.memory_space<vmem>>) dst(%dma_wait3A_36 : memref<128x32xf32, #tpu.memory_space<hbm>>)
      tpu.yield
    }) : () -> ()
    return
  }
}

#map = affine_map<(d0, d1) -> (0, 0)>
#map1 = affine_map<(d0, d1) -> (0)>
module attributes {stable_mosaic.version = 14 : i64} {
  func.func @_sc_gather_body(%arg0: i32, %arg1: i32, %arg2: memref<8192x32xf32, #tpu.memory_space<hbm>>, %arg3: memref<4096xi32, #tpu.memory_space<hbm>>, %arg4: memref<4096x32xf32, #tpu.memory_space<hbm>>, %arg5: memref<4096x32xf32, #tpu.memory_space<hbm>>, %arg6: memref<1x128xi32, #tpu.memory_space<vmem>>, %arg7: memref<128x32xf32, #tpu.memory_space<vmem>>, %arg8: memref<128x32xf32, #tpu.memory_space<vmem>>, %arg9: memref<!tpu.dma_semaphore, #tpu.memory_space<semaphore_mem>>) attributes {dimension_semantics = [#tpu.dimension_semantics<core_parallel>, #tpu.dimension_semantics<subcore_parallel>], iteration_bounds = array<i64: 2, 16>, scalar_prefetch = 0 : i64, scratch_operands = 4 : i64, tpu.core_type = #tpu.core_type<sc_vector_subcore>, window_params = [{transform_indices = #map}, {transform_indices = #map1}, {transform_indices = #map}, {transform_indices = #map}]} {
    %mul3A = arith.constant 2 : i32
    %mul3A_0 = arith.muli %arg1, %mul3A : i32
    %add3A = arith.addi %mul3A_0, %arg0 : i32
    %mul3A_1 = arith.constant 128 : i32
    %mul3A_2 = arith.muli %add3A, %mul3A_1 : i32
    "tpu.region"() ({
      %run_scoped3A_28 = tpu.sem_alloc : memref<!tpu.dma_semaphore, #tpu.memory_space<semaphore_mem>>
      %dma_start3A_29 = arith.constant 0 : i32
      %dma_start3A_30 = tpu.memref_slice %arg4[%mul3A_2, %dma_start3A_29] : memref<4096x32xf32, #tpu.memory_space<hbm>> -> memref<128x32xf32, #tpu.memory_space<hbm>>
      %dma_start3A_31 = arith.constant 0 : i32
      %dma_start3A_32 = tpu.memref_slice %arg4[%mul3A_2, %dma_start3A_31] : memref<4096x32xf32, #tpu.memory_space<hbm>> -> memref<128x32xf32, #tpu.memory_space<hbm>>
      tpu.enqueue_dma source(%dma_start3A_32 : memref<128x32xf32, #tpu.memory_space<hbm>>) target(%arg8 : memref<128x32xf32, #tpu.memory_space<vmem>>) target_semaphore(%run_scoped3A_28 : memref<!tpu.dma_semaphore, #tpu.memory_space<semaphore_mem>>)
      %dma_wait3A_33 = arith.constant 0 : i32
      %dma_wait3A_34 = tpu.memref_slice %arg4[%mul3A_2, %dma_wait3A_33] : memref<4096x32xf32, #tpu.memory_space<hbm>> -> memref<128x32xf32, #tpu.memory_space<hbm>>
      %dma_wait3A_35 = arith.constant 0 : i32
      %dma_wait3A_36 = tpu.memref_slice %arg4[%mul3A_2, %dma_wait3A_35] : memref<4096x32xf32, #tpu.memory_space<hbm>> -> memref<128x32xf32, #tpu.memory_space<hbm>>
      tpu.wait_dma2 semaphore(%run_scoped3A_28 : memref<!tpu.dma_semaphore, #tpu.memory_space<semaphore_mem>>) src(%dma_wait3A_36 : memref<128x32xf32, #tpu.memory_space<hbm>>) dst(%arg8 : memref<128x32xf32, #tpu.memory_space<vmem>>)
      tpu.yield
    }) : () -> ()
    %add3A_3 = arith.constant 0 : i32
    %add3A_4 = arith.addi %mul3A_2, %add3A_3 : i32
    %run_scoped3A = arith.constant 0 : i32
    "tpu.region"() ({
      %run_scoped3A_28 = tpu.sem_alloc : memref<!tpu.dma_semaphore, #tpu.memory_space<semaphore_mem>>
      %dma_start3A_29 = arith.constant 0 : i32
      %dma_start3A_30 = tpu.memref_slice %arg6[%run_scoped3A, %dma_start3A_29] : memref<1x128xi32, #tpu.memory_space<vmem>> -> memref<1x128xi32, #tpu.memory_space<vmem>>
      %dma_start3A_31 = tpu.memref_squeeze %dma_start3A_30 : memref<1x128xi32, #tpu.memory_space<vmem>> -> memref<128xi32, #tpu.memory_space<vmem>>
      %dma_start3A_32 = tpu.memref_slice %arg3[%add3A_4] : memref<4096xi32, #tpu.memory_space<hbm>> -> memref<128xi32, #tpu.memory_space<hbm>>
      %dma_start3A_33 = arith.constant 0 : i32
      %dma_start3A_34 = tpu.memref_slice %arg6[%run_scoped3A, %dma_start3A_33] : memref<1x128xi32, #tpu.memory_space<vmem>> -> memref<1x128xi32, #tpu.memory_space<vmem>>
      %dma_start3A_35 = tpu.memref_squeeze %dma_start3A_34 : memref<1x128xi32, #tpu.memory_space<vmem>> -> memref<128xi32, #tpu.memory_space<vmem>>
      %dma_start3A_36 = tpu.memref_slice %arg3[%add3A_4] : memref<4096xi32, #tpu.memory_space<hbm>> -> memref<128xi32, #tpu.memory_space<hbm>>
      tpu.enqueue_dma source(%dma_start3A_36 : memref<128xi32, #tpu.memory_space<hbm>>) target(%dma_start3A_35 : memref<128xi32, #tpu.memory_space<vmem>>) target_semaphore(%run_scoped3A_28 : memref<!tpu.dma_semaphore, #tpu.memory_space<semaphore_mem>>)
      %dma_wait3A_37 = arith.constant 0 : i32
      %dma_wait3A_38 = tpu.memref_slice %arg6[%run_scoped3A, %dma_wait3A_37] : memref<1x128xi32, #tpu.memory_space<vmem>> -> memref<1x128xi32, #tpu.memory_space<vmem>>
      %dma_wait3A_39 = tpu.memref_squeeze %dma_wait3A_38 : memref<1x128xi32, #tpu.memory_space<vmem>> -> memref<128xi32, #tpu.memory_space<vmem>>
      %dma_wait3A_40 = tpu.memref_slice %arg3[%add3A_4] : memref<4096xi32, #tpu.memory_space<hbm>> -> memref<128xi32, #tpu.memory_space<hbm>>
      %dma_wait3A_41 = arith.constant 0 : i32
      %dma_wait3A_42 = tpu.memref_slice %arg6[%run_scoped3A, %dma_wait3A_41] : memref<1x128xi32, #tpu.memory_space<vmem>> -> memref<1x128xi32, #tpu.memory_space<vmem>>
      %dma_wait3A_43 = tpu.memref_squeeze %dma_wait3A_42 : memref<1x128xi32, #tpu.memory_space<vmem>> -> memref<128xi32, #tpu.memory_space<vmem>>
      %dma_wait3A_44 = tpu.memref_slice %arg3[%add3A_4] : memref<4096xi32, #tpu.memory_space<hbm>> -> memref<128xi32, #tpu.memory_space<hbm>>
      tpu.wait_dma2 semaphore(%run_scoped3A_28 : memref<!tpu.dma_semaphore, #tpu.memory_space<semaphore_mem>>) src(%dma_wait3A_44 : memref<128xi32, #tpu.memory_space<hbm>>) dst(%dma_wait3A_43 : memref<128xi32, #tpu.memory_space<vmem>>)
      tpu.yield
    }) : () -> ()
    %dma_start3A = arith.constant 0 : i32
    %dma_start3A_5 = arith.constant 0 : i32
    %dma_start3A_6 = arith.constant 0 : i32
    %dma_start3A_7 = tpu.memref_slice %arg7[%dma_start3A_5, %dma_start3A_6] : memref<128x32xf32, #tpu.memory_space<vmem>> -> memref<128x32xf32, #tpu.memory_space<vmem>>
    %dma_start3A_8 = arith.constant 0 : i32
    %dma_start3A_9 = tpu.memref_slice %arg6[%dma_start3A, %dma_start3A_8] : memref<1x128xi32, #tpu.memory_space<vmem>> -> memref<1x128xi32, #tpu.memory_space<vmem>>
    %dma_start3A_10 = tpu.memref_squeeze %dma_start3A_9 : memref<1x128xi32, #tpu.memory_space<vmem>> -> memref<128xi32, #tpu.memory_space<vmem>>
    %dma_start3A_11 = arith.constant 0 : i32
    %dma_start3A_12 = arith.constant 0 : i32
    %dma_start3A_13 = tpu.memref_slice %arg2[%dma_start3A_11, %dma_start3A_12] : memref<8192x32xf32, #tpu.memory_space<hbm>> -> memref<8192x32xf32, #tpu.memory_space<hbm>>
    tpu.enqueue_indirect_dma source(%dma_start3A_13 : memref<8192x32xf32, #tpu.memory_space<hbm>>) target(%dma_start3A_7 : memref<128x32xf32, #tpu.memory_space<vmem>>) offsets(%dma_start3A_10 : memref<128xi32, #tpu.memory_space<vmem>>) semaphore(%arg9 : memref<!tpu.dma_semaphore, #tpu.memory_space<semaphore_mem>>)
    %dma_wait3A = arith.constant 0 : i32
    %dma_wait3A_14 = arith.constant 0 : i32
    %dma_wait3A_15 = arith.constant 0 : i32
    %dma_wait3A_16 = tpu.memref_slice %arg7[%dma_wait3A_14, %dma_wait3A_15] : memref<128x32xf32, #tpu.memory_space<vmem>> -> memref<128x32xf32, #tpu.memory_space<vmem>>
    %dma_wait3A_17 = arith.constant 0 : i32
    %dma_wait3A_18 = tpu.memref_slice %arg6[%dma_wait3A, %dma_wait3A_17] : memref<1x128xi32, #tpu.memory_space<vmem>> -> memref<1x128xi32, #tpu.memory_space<vmem>>
    %dma_wait3A_19 = tpu.memref_squeeze %dma_wait3A_18 : memref<1x128xi32, #tpu.memory_space<vmem>> -> memref<128xi32, #tpu.memory_space<vmem>>
    %dma_wait3A_20 = arith.constant 0 : i32
    %dma_wait3A_21 = arith.constant 0 : i32
    %dma_wait3A_22 = tpu.memref_slice %arg2[%dma_wait3A_20, %dma_wait3A_21] : memref<8192x32xf32, #tpu.memory_space<hbm>> -> memref<8192x32xf32, #tpu.memory_space<hbm>>
    tpu.wait_indirect_dma semaphore(%arg9 : memref<!tpu.dma_semaphore, #tpu.memory_space<semaphore_mem>>) src(%dma_wait3A_22 : memref<8192x32xf32, #tpu.memory_space<hbm>>) dst(%dma_wait3A_16 : memref<128x32xf32, #tpu.memory_space<vmem>>)
    %scan3A = arith.constant 0 : i32
    %scan3A_23 = arith.constant 0 : i32
    %scan3A_24 = arith.constant 128 : i32
    %scan3A_25 = arith.addi %scan3A_23, %scan3A_24 : i32
    %scan3A_26 = arith.constant 1 : i32
    scf.for %scan3A_28 = %scan3A_23 to %scan3A_25 step %scan3A_26  : i32 {
      %get3A = arith.index_cast %scan3A_28 : i32 to index
      %get3A_29 = arith.constant 0 : index
      %get3A_30 = tpu.vector_load %arg8[%get3A, %get3A_29] {strides = array<i32>} : memref<128x32xf32, #tpu.memory_space<vmem>>, vector<1x16xf32>,
      %get3A_31 = vector.shape_cast %get3A_30 : vector<1x16xf32> to vector<16xf32>
      %get3A_32 = arith.index_cast %scan3A_28 : i32 to index
      %get3A_33 = arith.constant 0 : index
      %get3A_34 = tpu.vector_load %arg7[%get3A_32, %get3A_33] {strides = array<i32>} : memref<128x32xf32, #tpu.memory_space<vmem>>, vector<1x16xf32>,
      %get3A_35 = vector.shape_cast %get3A_34 : vector<1x16xf32> to vector<16xf32>
      %sub3A = arith.subf %get3A_35, %get3A_31 : vector<16xf32>
      %add3A_36 = arith.addf %get3A_31, %sub3A : vector<16xf32>
      %swap3A = arith.index_cast %scan3A_28 : i32 to index
      %swap3A_37 = arith.constant 0 : index
      %swap3A_38 = tpu.vector_load %arg7[%swap3A, %swap3A_37] {strides = array<i32>} : memref<128x32xf32, #tpu.memory_space<vmem>>, vector<1x16xf32>,
      %swap3A_39 = vector.shape_cast %swap3A_38 : vector<1x16xf32> to vector<16xf32>
      %swap3A_40 = vector.shape_cast %add3A_36 : vector<16xf32> to vector<1x16xf32>
      tpu.vector_store %arg7[%swap3A, %swap3A_37], %swap3A_40 {strides = array<i32>} : memref<128x32xf32, #tpu.memory_space<vmem>>, vector<1x16xf32>,
      %get3A_41 = arith.index_cast %scan3A_28 : i32 to index
      %get3A_42 = arith.constant 16 : index
      %get3A_43 = tpu.vector_load %arg8[%get3A_41, %get3A_42] {strides = array<i32>} : memref<128x32xf32, #tpu.memory_space<vmem>>, vector<1x16xf32>,
      %get3A_44 = vector.shape_cast %get3A_43 : vector<1x16xf32> to vector<16xf32>
      %get3A_45 = arith.index_cast %scan3A_28 : i32 to index
      %get3A_46 = arith.constant 16 : index
      %get3A_47 = tpu.vector_load %arg7[%get3A_45, %get3A_46] {strides = array<i32>} : memref<128x32xf32, #tpu.memory_space<vmem>>, vector<1x16xf32>,
      %get3A_48 = vector.shape_cast %get3A_47 : vector<1x16xf32> to vector<16xf32>
      %sub3A_49 = arith.subf %get3A_48, %get3A_44 : vector<16xf32>
      %add3A_50 = arith.addf %get3A_44, %sub3A_49 : vector<16xf32>
      %swap3A_51 = arith.index_cast %scan3A_28 : i32 to index
      %swap3A_52 = arith.constant 16 : index
      %swap3A_53 = tpu.vector_load %arg7[%swap3A_51, %swap3A_52] {strides = array<i32>} : memref<128x32xf32, #tpu.memory_space<vmem>>, vector<1x16xf32>,
      %swap3A_54 = vector.shape_cast %swap3A_53 : vector<1x16xf32> to vector<16xf32>
      %swap3A_55 = vector.shape_cast %add3A_50 : vector<16xf32> to vector<1x16xf32>
      tpu.vector_store %arg7[%swap3A_51, %swap3A_52], %swap3A_55 {strides = array<i32>} : memref<128x32xf32, #tpu.memory_space<vmem>>, vector<1x16xf32>,
    }
    %scan3A_27 = arith.constant 128 : i32
    "tpu.region"() ({
      %run_scoped3A_28 = tpu.sem_alloc : memref<!tpu.dma_semaphore, #tpu.memory_space<semaphore_mem>>
      %dma_start3A_29 = arith.constant 0 : i32
      %dma_start3A_30 = tpu.memref_slice %arg5[%mul3A_2, %dma_start3A_29] : memref<4096x32xf32, #tpu.memory_space<hbm>> -> memref<128x32xf32, #tpu.memory_space<hbm>>
      %dma_start3A_31 = arith.constant 0 : i32
      %dma_start3A_32 = tpu.memref_slice %arg5[%mul3A_2, %dma_start3A_31] : memref<4096x32xf32, #tpu.memory_space<hbm>> -> memref<128x32xf32, #tpu.memory_space<hbm>>
      tpu.enqueue_dma source(%arg7 : memref<128x32xf32, #tpu.memory_space<vmem>>) target(%dma_start3A_32 : memref<128x32xf32, #tpu.memory_space<hbm>>) target_semaphore(%run_scoped3A_28 : memref<!tpu.dma_semaphore, #tpu.memory_space<semaphore_mem>>)
      %dma_wait3A_33 = arith.constant 0 : i32
      %dma_wait3A_34 = tpu.memref_slice %arg5[%mul3A_2, %dma_wait3A_33] : memref<4096x32xf32, #tpu.memory_space<hbm>> -> memref<128x32xf32, #tpu.memory_space<hbm>>
      %dma_wait3A_35 = arith.constant 0 : i32
      %dma_wait3A_36 = tpu.memref_slice %arg5[%mul3A_2, %dma_wait3A_35] : memref<4096x32xf32, #tpu.memory_space<hbm>> -> memref<128x32xf32, #tpu.memory_space<hbm>>
      tpu.wait_dma2 semaphore(%run_scoped3A_28 : memref<!tpu.dma_semaphore, #tpu.memory_space<semaphore_mem>>) src(%arg7 : memref<128x32xf32, #tpu.memory_space<vmem>>) dst(%dma_wait3A_36 : memref<128x32xf32, #tpu.memory_space<hbm>>)
      tpu.yield
    }) : () -> ()
    return
  }
}

module attributes {stable_mosaic.version = 14 : i64} {
  func.func @_dist_argmin_body(%arg0: i32, %arg1: memref<1024x32xbf16, #tpu.memory_space<vmem>>, %arg2: memref<8192x32xbf16, #tpu.memory_space<vmem>>, %arg3: memref<1x1024xf32, #tpu.memory_space<vmem>>, %arg4: memref<8192x1xf32, #tpu.memory_space<vmem>>, %arg5: memref<1x1x1024xi32, #tpu.memory_space<vmem>>, %arg6: memref<1x1xf32, #tpu.memory_space<vmem>>) attributes {dimension_semantics = [#tpu.dimension_semantics<arbitrary>], iteration_bounds = array<i64: 4>, scalar_prefetch = 0 : i64, scratch_operands = 0 : i64, tpu.core_type = #tpu.core_type<tc>, window_params = [{transform_indices = @transform_0, window_bounds = array<i64: 1024, 32>}, {pipeline_mode = #tpu.pipeline_mode<synchronous>, transform_indices = @transform_1, window_bounds = array<i64: 8192, 32>}, {transform_indices = @transform_2, window_bounds = array<i64: 1, 1024>}, {pipeline_mode = #tpu.pipeline_mode<synchronous>, transform_indices = @transform_3, window_bounds = array<i64: 8192, 1>}, {transform_indices = @transform_4, window_bounds = array<i64: 1, 1, 1024>}, {pipeline_mode = #tpu.pipeline_mode<synchronous>, transform_indices = @transform_5, window_bounds = array<i64: 1, 1>}]} {
    %get3A = arith.constant 0 : index
    %get3A_0 = arith.constant 0 : index
    %get3A_1 = vector.load %arg3[%get3A, %get3A_0] : memref<1x1024xf32, #tpu.memory_space<vmem>>, vector<1x1024xf32>
    %get3A_2 = arith.constant 0 : index
    %get3A_3 = arith.constant 0 : index
    %get3A_4 = vector.load %arg2[%get3A_2, %get3A_3] : memref<8192x32xbf16, #tpu.memory_space<vmem>>, vector<8192x32xbf16>
    %get3A_5 = arith.constant 0 : index
    %get3A_6 = arith.constant 0 : index
    %get3A_7 = vector.load %arg1[%get3A_5, %get3A_6] : memref<1024x32xbf16, #tpu.memory_space<vmem>>, vector<1024x32xbf16>
    %dot_general3A = arith.constant dense<0.000000e+00> : vector<8192x1024xf32>
    %dot_general3A_8 = tpu.matmul %get3A_4, %get3A_7, %dot_general3A {dimension_numbers = #tpu.dot_dimension_numbers<[1], [1], [0], [0], [0, 0, 1, 0], [], []>, transpose_lhs_hint = false} : vector<8192x32xbf16>, vector<1024x32xbf16>, vector<8192x1024xf32> -> vector<8192x1024xf32>
    %iota3A = tpu.iota {dimensions = array<i32: 0>} : vector<2048x1024xi32>
    %slice3A = vector.extract_strided_slice %dot_general3A_8 {offsets = [0, 0], sizes = [2048, 1024], strides = [1, 1]} : vector<8192x1024xf32> to vector<2048x1024xf32>
    %sub3A = vector.broadcast %get3A_1 : vector<1x1024xf32> to vector<2048x1024xf32>
    %sub3A_9 = arith.subf %sub3A, %slice3A : vector<2048x1024xf32>
    %get3A_10 = arith.constant 0 : index
    %get3A_11 = arith.constant 0 : index
    %get3A_12 = vector.load %arg4[%get3A_10, %get3A_11] : memref<8192x1xf32, #tpu.memory_space<vmem>>, vector<2048x1xf32>
    %add3A = vector.broadcast %get3A_12 : vector<2048x1xf32> to vector<2048x1024xf32>
    %add3A_13 = arith.addf %sub3A_9, %add3A : vector<2048x1024xf32>
    %reduce_min3A = arith.constant dense<0x7F800000> : vector<1024xf32>
    %reduce_min3A_14 = vector.multi_reduction <minimumf>, %add3A_13, %reduce_min3A [0] : vector<2048x1024xf32> to vector<1024xf32>
    %broadcast_in_dim3A = vector.shape_cast %reduce_min3A_14 : vector<1024xf32> to vector<1x1024xf32>
    %eq3A = vector.broadcast %broadcast_in_dim3A : vector<1x1024xf32> to vector<2048x1024xf32>
    %eq3A_15 = arith.cmpf oeq, %add3A_13, %eq3A : vector<2048x1024xf32>
    %jit3A = arith.constant 2147483647 : i32
    %broadcast_in_dim3A_16 = vector.broadcast %jit3A : i32 to vector<2048x1024xi32>
    %select_n3A = arith.select %eq3A_15, %iota3A, %broadcast_in_dim3A_16 : vector<2048x1024xi1>, vector<2048x1024xi32>
    %reduce_min3A_17 = arith.constant dense<2147483647> : vector<1024xi32>
    %reduce_min3A_18 = vector.multi_reduction <minsi>, %select_n3A, %reduce_min3A_17 [0] : vector<2048x1024xi32> to vector<1024xi32>
    %broadcast_in_dim3A_19 = vector.shape_cast %reduce_min3A_18 : vector<1024xi32> to vector<1x1024xi32>
    %add3A_20 = arith.constant 0 : i32
    %add3A_21 = vector.broadcast %add3A_20 : i32 to vector<1x1024xi32>
    %add3A_22 = arith.addi %broadcast_in_dim3A_19, %add3A_21 : vector<1x1024xi32>
    %convert_element_type3A = arith.truncf %broadcast_in_dim3A : vector<1x1024xf32> to vector<1x1024xbf16>
    %convert_element_type3A_23 = arith.extf %convert_element_type3A : vector<1x1024xbf16> to vector<1x1024xf32>
    %slice3A_24 = vector.extract_strided_slice %dot_general3A_8 {offsets = [2048, 0], sizes = [2048, 1024], strides = [1, 1]} : vector<8192x1024xf32> to vector<2048x1024xf32>
    %sub3A_25 = vector.broadcast %get3A_1 : vector<1x1024xf32> to vector<2048x1024xf32>
    %sub3A_26 = arith.subf %sub3A_25, %slice3A_24 : vector<2048x1024xf32>
    %get3A_27 = arith.constant 2048 : index
    %get3A_28 = arith.constant 0 : index
    %get3A_29 = vector.load %arg4[%get3A_27, %get3A_28] : memref<8192x1xf32, #tpu.memory_space<vmem>>, vector<2048x1xf32>
    %add3A_30 = vector.broadcast %get3A_29 : vector<2048x1xf32> to vector<2048x1024xf32>
    %add3A_31 = arith.addf %sub3A_26, %add3A_30 : vector<2048x1024xf32>
    %reduce_min3A_32 = arith.constant dense<0x7F800000> : vector<1024xf32>
    %reduce_min3A_33 = vector.multi_reduction <minimumf>, %add3A_31, %reduce_min3A_32 [0] : vector<2048x1024xf32> to vector<1024xf32>
    %broadcast_in_dim3A_34 = vector.shape_cast %reduce_min3A_33 : vector<1024xf32> to vector<1x1024xf32>
    %eq3A_35 = vector.broadcast %broadcast_in_dim3A_34 : vector<1x1024xf32> to vector<2048x1024xf32>
    %eq3A_36 = arith.cmpf oeq, %add3A_31, %eq3A_35 : vector<2048x1024xf32>
    %jit3A_37 = arith.constant 2147483647 : i32
    %broadcast_in_dim3A_38 = vector.broadcast %jit3A_37 : i32 to vector<2048x1024xi32>
    %select_n3A_39 = arith.select %eq3A_36, %iota3A, %broadcast_in_dim3A_38 : vector<2048x1024xi1>, vector<2048x1024xi32>
    %reduce_min3A_40 = arith.constant dense<2147483647> : vector<1024xi32>
    %reduce_min3A_41 = vector.multi_reduction <minsi>, %select_n3A_39, %reduce_min3A_40 [0] : vector<2048x1024xi32> to vector<1024xi32>
    %broadcast_in_dim3A_42 = vector.shape_cast %reduce_min3A_41 : vector<1024xi32> to vector<1x1024xi32>
    %add3A_43 = arith.constant 2048 : i32
    %add3A_44 = vector.broadcast %add3A_43 : i32 to vector<1x1024xi32>
    %add3A_45 = arith.addi %broadcast_in_dim3A_42, %add3A_44 : vector<1x1024xi32>
    %convert_element_type3A_46 = arith.truncf %broadcast_in_dim3A_34 : vector<1x1024xf32> to vector<1x1024xbf16>
    %convert_element_type3A_47 = arith.extf %convert_element_type3A_46 : vector<1x1024xbf16> to vector<1x1024xf32>
    %lt3A = arith.cmpf olt, %broadcast_in_dim3A_34, %convert_element_type3A_23 : vector<1x1024xf32>
    %select_n3A_48 = arith.select %lt3A, %add3A_45, %add3A_22 : vector<1x1024xi1>, vector<1x1024xi32>
    %select_n3A_49 = arith.select %lt3A, %broadcast_in_dim3A_34, %broadcast_in_dim3A : vector<1x1024xi1>, vector<1x1024xf32>
    %select_n3A_50 = arith.select %lt3A, %convert_element_type3A_47, %convert_element_type3A_23 : vector<1x1024xi1>, vector<1x1024xf32>
    %slice3A_51 = vector.extract_strided_slice %dot_general3A_8 {offsets = [4096, 0], sizes = [2048, 1024], strides = [1, 1]} : vector<8192x1024xf32> to vector<2048x1024xf32>
    %sub3A_52 = vector.broadcast %get3A_1 : vector<1x1024xf32> to vector<2048x1024xf32>
    %sub3A_53 = arith.subf %sub3A_52, %slice3A_51 : vector<2048x1024xf32>
    %get3A_54 = arith.constant 4096 : index
    %get3A_55 = arith.constant 0 : index
    %get3A_56 = vector.load %arg4[%get3A_54, %get3A_55] : memref<8192x1xf32, #tpu.memory_space<vmem>>, vector<2048x1xf32>
    %add3A_57 = vector.broadcast %get3A_56 : vector<2048x1xf32> to vector<2048x1024xf32>
    %add3A_58 = arith.addf %sub3A_53, %add3A_57 : vector<2048x1024xf32>
    %reduce_min3A_59 = arith.constant dense<0x7F800000> : vector<1024xf32>
    %reduce_min3A_60 = vector.multi_reduction <minimumf>, %add3A_58, %reduce_min3A_59 [0] : vector<2048x1024xf32> to vector<1024xf32>
    %broadcast_in_dim3A_61 = vector.shape_cast %reduce_min3A_60 : vector<1024xf32> to vector<1x1024xf32>
    %eq3A_62 = vector.broadcast %broadcast_in_dim3A_61 : vector<1x1024xf32> to vector<2048x1024xf32>
    %eq3A_63 = arith.cmpf oeq, %add3A_58, %eq3A_62 : vector<2048x1024xf32>
    %jit3A_64 = arith.constant 2147483647 : i32
    %broadcast_in_dim3A_65 = vector.broadcast %jit3A_64 : i32 to vector<2048x1024xi32>
    %select_n3A_66 = arith.select %eq3A_63, %iota3A, %broadcast_in_dim3A_65 : vector<2048x1024xi1>, vector<2048x1024xi32>
    %reduce_min3A_67 = arith.constant dense<2147483647> : vector<1024xi32>
    %reduce_min3A_68 = vector.multi_reduction <minsi>, %select_n3A_66, %reduce_min3A_67 [0] : vector<2048x1024xi32> to vector<1024xi32>
    %broadcast_in_dim3A_69 = vector.shape_cast %reduce_min3A_68 : vector<1024xi32> to vector<1x1024xi32>
    %add3A_70 = arith.constant 4096 : i32
    %add3A_71 = vector.broadcast %add3A_70 : i32 to vector<1x1024xi32>
    %add3A_72 = arith.addi %broadcast_in_dim3A_69, %add3A_71 : vector<1x1024xi32>
    %convert_element_type3A_73 = arith.truncf %broadcast_in_dim3A_61 : vector<1x1024xf32> to vector<1x1024xbf16>
    %convert_element_type3A_74 = arith.extf %convert_element_type3A_73 : vector<1x1024xbf16> to vector<1x1024xf32>
    %lt3A_75 = arith.cmpf olt, %broadcast_in_dim3A_61, %select_n3A_50 : vector<1x1024xf32>
    %select_n3A_76 = arith.select %lt3A_75, %add3A_72, %select_n3A_48 : vector<1x1024xi1>, vector<1x1024xi32>
    %select_n3A_77 = arith.select %lt3A_75, %broadcast_in_dim3A_61, %select_n3A_49 : vector<1x1024xi1>, vector<1x1024xf32>
    %select_n3A_78 = arith.select %lt3A_75, %convert_element_type3A_74, %select_n3A_50 : vector<1x1024xi1>, vector<1x1024xf32>
    %slice3A_79 = vector.extract_strided_slice %dot_general3A_8 {offsets = [6144, 0], sizes = [2048, 1024], strides = [1, 1]} : vector<8192x1024xf32> to vector<2048x1024xf32>
    %sub3A_80 = vector.broadcast %get3A_1 : vector<1x1024xf32> to vector<2048x1024xf32>
    %sub3A_81 = arith.subf %sub3A_80, %slice3A_79 : vector<2048x1024xf32>
    %get3A_82 = arith.constant 6144 : index
    %get3A_83 = arith.constant 0 : index
    %get3A_84 = vector.load %arg4[%get3A_82, %get3A_83] : memref<8192x1xf32, #tpu.memory_space<vmem>>, vector<2048x1xf32>
    %add3A_85 = vector.broadcast %get3A_84 : vector<2048x1xf32> to vector<2048x1024xf32>
    %add3A_86 = arith.addf %sub3A_81, %add3A_85 : vector<2048x1024xf32>
    %reduce_min3A_87 = arith.constant dense<0x7F800000> : vector<1024xf32>
    %reduce_min3A_88 = vector.multi_reduction <minimumf>, %add3A_86, %reduce_min3A_87 [0] : vector<2048x1024xf32> to vector<1024xf32>
    %broadcast_in_dim3A_89 = vector.shape_cast %reduce_min3A_88 : vector<1024xf32> to vector<1x1024xf32>
    %eq3A_90 = vector.broadcast %broadcast_in_dim3A_89 : vector<1x1024xf32> to vector<2048x1024xf32>
    %eq3A_91 = arith.cmpf oeq, %add3A_86, %eq3A_90 : vector<2048x1024xf32>
    %jit3A_92 = arith.constant 2147483647 : i32
    %broadcast_in_dim3A_93 = vector.broadcast %jit3A_92 : i32 to vector<2048x1024xi32>
    %select_n3A_94 = arith.select %eq3A_91, %iota3A, %broadcast_in_dim3A_93 : vector<2048x1024xi1>, vector<2048x1024xi32>
    %reduce_min3A_95 = arith.constant dense<2147483647> : vector<1024xi32>
    %reduce_min3A_96 = vector.multi_reduction <minsi>, %select_n3A_94, %reduce_min3A_95 [0] : vector<2048x1024xi32> to vector<1024xi32>
    %broadcast_in_dim3A_97 = vector.shape_cast %reduce_min3A_96 : vector<1024xi32> to vector<1x1024xi32>
    %add3A_98 = arith.constant 6144 : i32
    %add3A_99 = vector.broadcast %add3A_98 : i32 to vector<1x1024xi32>
    %add3A_100 = arith.addi %broadcast_in_dim3A_97, %add3A_99 : vector<1x1024xi32>
    %lt3A_101 = arith.cmpf olt, %broadcast_in_dim3A_89, %select_n3A_78 : vector<1x1024xf32>
    %select_n3A_102 = arith.select %lt3A_101, %add3A_100, %select_n3A_76 : vector<1x1024xi1>, vector<1x1024xi32>
    %select_n3A_103 = arith.select %lt3A_101, %broadcast_in_dim3A_89, %select_n3A_77 : vector<1x1024xi1>, vector<1x1024xf32>
    %reshape3A = vector.shape_cast %select_n3A_102 : vector<1x1024xi32> to vector<1x1x1024xi32>
    %swap3A = arith.constant 0 : index
    %swap3A_104 = arith.constant 0 : index
    %swap3A_105 = arith.constant 0 : index
    %swap3A_106 = vector.load %arg5[%swap3A, %swap3A_104, %swap3A_105] : memref<1x1x1024xi32, #tpu.memory_space<vmem>>, vector<1x1x1024xi32>
    tpu.vector_store %arg5[%swap3A, %swap3A_104, %swap3A_105], %reshape3A {strides = array<i32>} : memref<1x1x1024xi32, #tpu.memory_space<vmem>>, vector<1x1x1024xi32>,
    %eq3A_107 = arith.constant 0 : i32
    %eq3A_108 = arith.cmpi eq, %arg0, %eq3A_107 : i32
    %convert_element_type3A_109 = arith.extui %eq3A_108 : i1 to i32
    %cond3A = arith.constant 0 : i32
    %cond3A_110 = arith.cmpi ne, %convert_element_type3A_109, %cond3A : i32
    scf.if %cond3A_110 {
      %broadcast_in_dim3A_123 = arith.constant 0.000000e+00 : f32
      %broadcast_in_dim3A_124 = vector.broadcast %broadcast_in_dim3A_123 : f32 to vector<1x1xf32>
      %swap3A_125 = arith.constant 0 : index
      %swap3A_126 = arith.constant 0 : index
      %swap3A_127 = vector.load %arg6[%swap3A_125, %swap3A_126] : memref<1x1xf32, #tpu.memory_space<vmem>>, vector<1x1xf32>
      tpu.vector_store %arg6[%swap3A_125, %swap3A_126], %broadcast_in_dim3A_124 {strides = array<i32>} : memref<1x1xf32, #tpu.memory_space<vmem>>, vector<1x1xf32>,
    } else {
    }
    %get3A_111 = arith.constant 0 : index
    %get3A_112 = arith.constant 0 : index
    %get3A_113 = vector.load %arg6[%get3A_111, %get3A_112] : memref<1x1xf32, #tpu.memory_space<vmem>>, vector<1x1xf32>
    %reduce_sum3A = vector.shape_cast %select_n3A_103 : vector<1x1024xf32> to vector<1x1x1024xf32>
    %reduce_sum3A_114 = arith.constant dense<0.000000e+00> : vector<1xf32>
    %reduce_sum3A_115 = vector.multi_reduction <add>, %reduce_sum3A, %reduce_sum3A_114 [1, 2] : vector<1x1x1024xf32> to vector<1xf32>
    %reduce_sum3A_116 = vector.shape_cast %reduce_sum3A_115 : vector<1xf32> to vector<1x1x1xf32>
    %reduce_sum3A_117 = vector.extract %reduce_sum3A_116[0, 0, 0] : f32 from vector<1x1x1xf32>
    %reshape3A_118 = vector.broadcast %reduce_sum3A_117 : f32 to vector<1x1xf32>
    %add3A_119 = arith.addf %get3A_113, %reshape3A_118 : vector<1x1xf32>
    %swap3A_120 = arith.constant 0 : index
    %swap3A_121 = arith.constant 0 : index
    %swap3A_122 = vector.load %arg6[%swap3A_120, %swap3A_121] : memref<1x1xf32, #tpu.memory_space<vmem>>, vector<1x1xf32>
    tpu.vector_store %arg6[%swap3A_120, %swap3A_121], %add3A_119 {strides = array<i32>} : memref<1x1xf32, #tpu.memory_space<vmem>>, vector<1x1xf32>,
    return
  }
  func.func @transform_0(%arg0: i32) -> (i32, i32) {
    %c0_i32 = arith.constant 0 : i32
    %c0_i32_0 = arith.constant 0 : i32
    return %arg0, %c0_i32 : i32, i32
  }
  func.func @transform_1(%arg0: i32) -> (i32, i32) {
    %c0_i32 = arith.constant 0 : i32
    %c0_i32_0 = arith.constant 0 : i32
    %c0_i32_1 = arith.constant 0 : i32
    return %c0_i32, %c0_i32_0 : i32, i32
  }
  func.func @transform_2(%arg0: i32) -> (i32, i32) {
    %c0_i32 = arith.constant 0 : i32
    %c0_i32_0 = arith.constant 0 : i32
    return %c0_i32, %arg0 : i32, i32
  }
  func.func @transform_3(%arg0: i32) -> (i32, i32) {
    %c0_i32 = arith.constant 0 : i32
    %c0_i32_0 = arith.constant 0 : i32
    %c0_i32_1 = arith.constant 0 : i32
    return %c0_i32, %c0_i32_0 : i32, i32
  }
  func.func @transform_4(%arg0: i32) -> (i32, i32, i32) {
    %c0_i32 = arith.constant 0 : i32
    %c0_i32_0 = arith.constant 0 : i32
    %c0_i32_1 = arith.constant 0 : i32
    return %arg0, %c0_i32, %c0_i32_0 : i32, i32, i32
  }
  func.func @transform_5(%arg0: i32) -> (i32, i32) {
    %c0_i32 = arith.constant 0 : i32
    %c0_i32_0 = arith.constant 0 : i32
    %c0_i32_1 = arith.constant 0 : i32
    return %c0_i32, %c0_i32_0 : i32, i32
  }
}

</mosaic_0001>

<sc_bundles>
// kernel: kernel.6.cloned.1.call-start
scs
__scs_entry_jumppad:
0x0: {  	(pc) =	sbr.rel $0x88, $3  }
0x1: {  	(tag) =	ssettag $0x0;
	lr =	simm.s32 $0x1  }
0x2: {  	[smem:$0x3F9F] =	sst lr;
	_ =	strace $0xD0000000  }
0x3: {  	_ = 	snop  }
0x4: {  	_ = 	snop  }
0x5: {  	_ = 	snop  }
0x6: {  	_ = 	snop  }
0x7: {  	_ = 	snop  }
__scs_overlays_trampoline_lowered:
0x8: {  	[smem:$0x3FAE] =	sst s0  }
0x9: {  	[smem:$0x3FAF] =	sst s1  }
0xa: {  	[smem:$0x3FB0] =	sst s2  }
0xb: {  	[smem:$0x3FB1] =	sst s3  }
0xc: {  	[smem:$0x3FB2] =	sst s4  }
0xd: {  	[smem:$0x3FB3] =	sst s5  }
0xe: {  	[smem:$0x3FB4] =	sst s6  }
0xf: {  	[smem:$0x3FB5] =	sst s7  }
0x10: {  	[smem:$0x3FB6] =	sst s8  }
0x11: {  	[smem:$0x3FB7] =	sst s9;
	s0 =	simm.s32 @!p0 $0x0  }
0x12: {  	s1 =	sld [smem:$0x3F9D];
	s0 =	simm.s32 @p0 $0x1  }
0x13: {  	[smem:$0x3FB8] =	sst s0;
	s0 =	simm.s32 @!p1 $0x0  }
0x14: {  	s2 =	sld [smem:$0x3F9C];
	s0 =	simm.s32 @p1 $0x1  }
0x15: {  	[smem:$0x3FB9] =	sst s0;
	s0 =	simm.s32 @!p2 $0x0  }
0x16: {  	s3 =	sld [smem:$0x3FDB];
	s0 =	simm.s32 @p2 $0x1  }
0x17: {  	s4 =	simm.s32 $0x1BF5;
	[smem:$0x3FBB] =	sst s0  }
0x18: {  	s0 =	sld [smem:$0x3F9E];
	_ =	swait.ge [sflag:s4], $0x0  }
0x19: {  	s7 =	sld [smem:$0x3F9F]  }
0x1a: {  	s8 =	sadd.s32 $0xFFFFE003, lr  }
0x1b: {  	s9 =	sadd.s32 $0xFFFFFEF7, lr;
	s5 =	simm.s32 $0xFFFFFFFF;
	p2 =	slt.u32 s8, $0xFFFFF086  }
0x1c: {  	p1 =	slt.u32 s9, $0xF7A;
	s5 =	simm.s32 @!p2 $0x0  }
0x1d: {  	s5 =	simm.s32 @p1 $0x1;
	p0 =	seq.s32 s7, s2  }
0x1e: {  	s7 =	smul.u32 @!p0 $0xF7A, s2;
	p2 =	seq.s32 @!p0 s5, $0x0  }
0x1f: {  	s9 =	smul.u32 $0xF7A, s1;
	s8 =	simm.s32 @!p0 $0x1BF5;
	p2 =	por !p2, p0  }
0x20: {  	[sflag:s8] =	ssyncset.s32 @!p0 $0xFFFFF086;
	s6 =	sadd.s32 @!p0 s3, s7;
	s7 =	simm.s32 @!p0 $0x108  }
0x21: {  	s3 =	sadd.s32 s3, s9;
	s6 =	sadd.s32 @!p0 $0x88, s6;
	s7 =	simm.s32 @p2 $0x1082  }
0x22: {  	[simem:s7], [sflag:s8] =	dma.local @!p0 [hbm:s6], $0xF7A  }
0x23: {  	s9 =	sor.u32 $0xD0000000, s2;
	s6 =	simm.s32 $0x108;
	_ =	swait.ge @!p0 [sflag:s8], $0x0  }
0x24: {  	s3 =	sadd.s32 $0x88, s3;
	s6 =	simm.s32 @!p1 $0x1082;
	[sflag:s4] =	ssyncset.s32 $0xFFFFF086  }
0x25: {  	[simem:s6], [sflag:s4] =	dma.local [hbm:s3], $0xF7A  }
0x26: {  	[smem:$0x3F9F] =	sst s1;
	(tag) =	ssettag s2;
	_ =	strace s9  }
0x27: {  	s1 =	sld [smem:$0x3FAF]  }
0x28: {  	s2 =	sld [smem:$0x3FB0]  }
0x29: {  	s4 =	sld [smem:$0x3FB2]  }
0x2a: {  	p0 =	seq.s32 s5, $0x0;
	s5 =	sld [smem:$0x3FB3]  }
0x2b: {  	s6 =	sld [smem:$0x3FB4]  }
0x2c: {  	s7 =	sld [smem:$0x3FB5]  }
0x2d: {  	s3 =	simm.s32 $0x108;
	s8 =	sld [smem:$0x3FB6]  }
0x2e: {  	s3 =	simm.s32 @!p0 $0x1082;
	s9 =	sld [smem:$0x3FB7]  }
0x2f: {  	lr =	sadd.s32 s0, s3;
	s0 =	sld [smem:$0x3FAE]  }
0x30: {  	s3 =	sld [smem:$0x3FB1]  }
0x31: {  	[smem:$0x3FBA] =	sst s10  }
0x32: {  	s10 =	sld [smem:$0x3FB8];
	_ =	sdelay $0x3  }
0x33: {  	p0 =	seq.s32 s10, $0x1;
	s10 =	sld [smem:$0x3FBA];
	_ =	sdelay $0x3  }
0x34: {  	[smem:$0x3FBA] =	sst s10  }
0x35: {  	s10 =	sld [smem:$0x3FB9];
	_ =	sdelay $0x3  }
0x36: {  	p1 =	seq.s32 s10, $0x1;
	s10 =	sld [smem:$0x3FBA];
	_ =	sdelay $0x3  }
0x37: {  	[smem:$0x3FBA] =	sst s10  }
0x38: {  	s10 =	sld [smem:$0x3FBB]  }
0x39: {  	_ = 	snop;
	(pc) =	sbr.ind lr, $3  }
0x3a: {  	_ = 	snop  }
0x3b: {  	_ = 	snop  }
0x3c: {  	p2 =	seq.s32 s10, $0x1;
	s10 =	sld [smem:$0x3FBA]  }
0x3d: {  	_ =	shalt  }
0x3e: {  	_ =	shalt  }
0x3f: {  	_ =	shalt  }
0x40: {  	_ =	shalt  }
0x41: {  	_ =	shalt  }
0x42: {  	_ =	shalt  }
0x43: {  	_ =	shalt  }
0x44: {  	_ =	shalt  }
0x45: {  	_ =	shalt  }
0x46: {  	_ =	shalt  }
0x47: {  	_ =	shalt  }
0x48: {  	_ =	shalt  }
0x49: {  	_ =	shalt  }
0x4a: {  	_ =	shalt  }
0x4b: {  	_ =	shalt  }
0x4c: {  	_ =	shalt  }
0x4d: {  	_ =	shalt  }
0x4e: {  	_ =	shalt  }
0x4f: {  	_ =	shalt  }
0x50: {  	_ =	shalt  }
0x51: {  	_ =	shalt  }
0x52: {  	_ =	shalt  }
0x53: {  	_ =	shalt  }
0x54: {  	_ =	shalt  }
0x55: {  	_ =	shalt  }
0x56: {  	_ =	shalt  }
0x57: {  	_ =	shalt  }
0x58: {  	_ =	shalt  }
0x59: {  	_ =	shalt  }
0x5a: {  	_ =	shalt  }
0x5b: {  	_ =	shalt  }
0x5c: {  	_ =	shalt  }
0x5d: {  	_ =	shalt  }
0x5e: {  	_ =	shalt  }
0x5f: {  	_ =	shalt  }
0x60: {  	_ =	shalt  }
0x61: {  	_ =	shalt  }
0x62: {  	_ =	shalt  }
0x63: {  	_ =	shalt  }
0x64: {  	_ =	shalt  }
0x65: {  	_ =	shalt  }
0x66: {  	_ =	shalt  }
0x67: {  	_ =	shalt  }
0x68: {  	_ =	shalt  }
0x69: {  	_ =	shalt  }
0x6a: {  	_ =	shalt  }
0x6b: {  	_ =	shalt  }
0x6c: {  	_ =	shalt  }
0x6d: {  	_ =	shalt  }
0x6e: {  	_ =	shalt  }
0x6f: {  	_ =	shalt  }
0x70: {  	_ =	shalt  }
0x71: {  	_ =	shalt  }
0x72: {  	_ =	shalt  }
0x73: {  	_ =	shalt  }
0x74: {  	_ =	shalt  }
0x75: {  	_ =	shalt  }
0x76: {  	_ =	shalt  }
0x77: {  	_ =	shalt  }
0x78: {  	_ =	shalt  }
0x79: {  	_ =	shalt  }
0x7a: {  	_ =	shalt  }
0x7b: {  	_ =	shalt  }
0x7c: {  	_ =	shalt  }
0x7d: {  	_ =	shalt  }
0x7e: {  	_ =	shalt  }
0x7f: {  	_ =	shalt  }
0x80: {  	_ =	shalt  }
0x81: {  	_ =	shalt  }
0x82: {  	_ =	shalt  }
0x83: {  	_ =	shalt  }
0x84: {  	_ =	shalt  }
0x85: {  	_ =	shalt  }
0x86: {  	_ =	shalt  }
0x87: {  	_ =	shalt  }
.Lfunc_end0:
.L_simem_size_0:
called_computation_lowered:
.L_overlay_start_0:
0x88: {  	s2 =	sld [smem:$0x3FD9]  }
0x89: {  	s3 =	sld [smem:$0x3FFE];
	_ =	sdelay $0x1  }
0x8a: {  	s1 =	srdreg.scid  }
0x8b: {  	s0 =	sand.u32 $0x1, s1  }
0x8c: {  	s15 =	sshll.u32 s0, $0xA;
	s2 =	sadd.s32 s3, s2  }
0x8d: {  	s2 =	sadd.s32 s2, s15  }
0x8e: {  	[smem:$0x3FC6] =	sst s2  }
0x8f: {  	_ = 	snop  }
0x90: {  	s2 =	sld [smem:$0x3FD0];
	_ =	sdelay $0x2  }
0x91: {  	s16 =	simm.s32 $0xB;
	s4 =	simm.s32 $0x10  }
0x92: {  	[smem:s4], [sflag:s16] =	dma.local [hbm:s2], $0x1  }
0x93: {  	_ =	swait.eq [sflag:s16], $0x1  }
0x94: {  	[sflag:s16] =	ssyncset.done $0x0  }
0x95: {  	[sflag:s16] =	ssyncadd.s32 $0xFFFFFFFF  }
0x96: {  	s17 =	sld [smem:$0x10];
	(tm) =	ssettm $0x1  }
0x97: {  	s18 =	sld [smem:$0x3FFB];
	_ =	sdelay $0x3  }
0x98: {  	_ =	strace s18  }
0x99: {  	s2 =	sld [smem:$0x3FFC];
	_ =	sdelay $0x3  }
0x9a: {  	_ =	strace s2  }
0x9b: {  	s2 =	sld [smem:$0x3FFD];
	_ =	sdelay $0x3  }
0x9c: {  	_ =	strace s2  }
0x9d: {  	_ =	strace $0x8FFFFFFF  }
0x9e: {  	s19 =	sld [smem:$0x3FDB];
	_ =	sdelay $0x1  }
0x9f: {  	s20 =	simm.s32 $_scs_section_size  }
0xa0: {  	s5 =	simm.s32 $_size__tile_overlayer_lowered;
	s6 =	simm.s32 $_tile_overlayer_lowered  }
0xa1: {  	s7 =	simm.s32 $0x1BFF;
	s21 =	sshll.u32 s6, $0x1;
	s4 =	sadd.s32 s20, s19  }
0xa2: {  	s22 =	simm.s32 $0x0;
	s5 =	sshll.u32 s5, $0x1;
	s6 =	sadd.s32 s21, s4  }
0xa3: {  	[timem:s22], [sflag:s7] =	dma.local [hbm:s6], s5  }
0xa4: {  	_ =	swait.ge [sflag:s7], s5  }
0xa5: {  	s5 =	ssub.s32 $0x0, s5;
	[sflag:s7] =	ssyncset.done $0x0  }
0xa6: {  	[sflag:s7] =	ssyncadd.s32 s5;
	_ =	sdelay $0x1  }
0xa7: {  	s23 =	simm.s32 $0x1B8B  }
0xa8: {  	_ =	swait.ge [sflag:s23], $0x1  }
0xa9: {  	[sflag:s23] =	ssyncset.done $0x0  }
0xaa: {  	[sflag:s23] =	ssyncadd.s32 $0xFFFFFFFF  }
0xab: {  	s5 =	sld [smem:$0x0]  }
0xac: {  	s6 =	sand.u32 $0xFFFFFFFE, s1  }
0xad: {  	p0 =	sne.s32 s1, s6  }
0xae: {  	s6 =	sshll.u32 @p0 s6, $0xE  }
0xaf: {  	s6 =	sadd.s32 @p0 $0x11B8D, s6;
	s7 =	sshll.u32 @p0 s5, $0x11  }
0xb0: {  	s6 =	sor.u32 @p0 s7, s6  }
0xb1: {  	[sflag:s6] =	ssyncadd.remote.s32 @p0 $0x1;
	_ =	sdelay $0x1  }
0xb2: {  	s6 =	simm.s32 @p0 $0x1B8D  }
0xb3: {  	_ =	swait.eq @p0 [sflag:s6], $0x1  }
0xb4: {  	[sflag:s6] =	ssyncadd.s32 @p0 $0xFFFFFFFF  }
0xb5: {  	s7 =	sshll.u32 @!p0 s1, $0xE  }
0xb6: {  	s7 =	sor.u32 @!p0 $0x4000, s7;
	s6 =	simm.s32 @!p0 $0x1B8D  }
0xb7: {  	s5 =	sshll.u32 @!p0 s5, $0x11;
	s7 =	sadd.s32 @!p0 $0x11B8D, s7;
	_ =	swait.eq @!p0 [sflag:s6], $0x1  }
0xb8: {  	s5 =	sor.u32 @!p0 s5, s7;
	[sflag:s6] =	ssyncadd.s32 @!p0 $0xFFFFFFFF  }
0xb9: {  	s25 =	simm.s32 $0x1B8E;
	s24 =	sld [smem:$0x3FFE];
	[sflag:s5] =	ssyncadd.remote.s32 @!p0 $0x1  }
0xba: {  	s26 =	simm.s32 $execute0_lowered;
	[smem:$0x3FD2] =	sst s25  }
0xbb: {  	s6 =	sshll.u32 s26, $0x1;
	_ =	strace $0x80000049;
	[dreg:$0x1] =	wrdreg $0xFFFFFFFF  }
0xbc: {  	s28 =	simm.s32 $_size_execute0_lowered;
	s4 =	sadd.s32 s4, s6;
	[dreg:$0x0] =	wrdreg $0x0  }
0xbd: {  	s6 =	sshll.u32 s28, $0x1;
	[dreg:$0x2] =	wrdreg s4  }
0xbe: {  	[dreg:$0x3] =	wrdreg s6  }
0xbf: {  	[dreg:$0x4] =	wrdreg $0xC0  }
0xc0: {  	_ =	task [dreg:s22], $0x5FFFF  }
0xc1: {  	[dreg:$0x1] =	wrdreg $0xFFFFFFFF  }
0xc2: {  	[dreg:$0x0] =	wrdreg $0x60  }
0xc3: {  	[dreg:$0x2] =	wrdreg s17  }
0xc4: {  	[dreg:$0x3] =	wrdreg s24  }
0xc5: {  	[dreg:$0x4] =	wrdreg $0x9  }
0xc6: {  	_ =	task.clear_ibuf [dreg:s22], $0x5FFFF;
	_ =	strace $0x90000049  }
0xc7: {  	s29 =	simm.s32 $0x9;
	_ =	strace $0x8000004B  }
0xc8: {  	_ =	swait.ge [sflag:s29], $0x1  }
0xc9: {  	[sflag:s29] =	ssyncadd.s32 $0xFFFFFFFF  }
0xca: {  	_ =	strace $0x9000004B  }
0xcb: {  	_ =	sfence  }
0xcc: {  	s30 =	sld [smem:$0x0];
	_ =	sdelay $0x2  }
0xcd: {  	s31 =	sshll.u32 s1, $0xD;
	s1 =	sshrl.u32 s1, $0x2  }
0xce: {  	s4 =	sand.u32 $0x4000, s31;
	s1 =	sadd.s32 s1, s30  }
0xcf: {  	s0 =	sor.u32 s4, s0;
	s1 =	sshll.u32 s1, $0x11  }
0xd0: {  	s0 =	sor.u32 s1, s0  }
0xd1: {  	s0 =	sadd.s32 $0x8F2B, s0  }
0xd2: {  	[sflag:s0] =	ssyncadd.remote.s32 $0x1  }
0xd3: {  	_ =	sfence.sel $0xFFFF  }
0xd4: {  	[dreg:$0x0] =	wrdreg $0xFFFFFFFF;
	(pc) =	sbr.abs _section_cstart, $3  }
0xd5: {  	[dreg:$0x1] =	wrdreg $0xFFFFFFFF  }
0xd6: {  	_ =	task.clear_ibuf [dreg:s22], $0x2FFFF;
	_ =	strace $0x9FFFFFFF  }
0xd7: {  	(tm) =	ssettm $0x7FFFFFFF  }
tec
execute0_lowered:
.L_overlay_start_1:
0x0: {  	(tag) =	ssettag $0x1  }
0x1: {  	s1 =	rddreg [dreg:$0x0]  }
0x2: {  	s4 =	rddreg [dreg:$0x1]  }
0x3: {  	s0 =	rddreg [dreg:$0x2];
	s5 =	srdreg.scid  }
0x4: {  	s3 =	simm.s32 $0x0;
	s2 =	stileid.u32;
	s9 =	simm.s32 $0x2  }
0x5: {  	s10 =	simm.s32 $0x80;
	s11 =	simm.s32 $0x1;
	s5 =	sand.u32 $0x1, s5  }
0x6: {  	[smem:$0x7FF] =	sst s3;
	s6 =	sshll.u32 s2, $0x8;
	s7 =	sshll.u32 s5, $0x7  }
0x7: {  	s12 =	simm.s32 $0x0;
	_ =	strace $0x8000004A;
	s6 =	sor.u32 s7, s6  }
0x8: {  	s5 =	ssub.s32 $0x2, s5;
	s7 =	sshrl.u32 s6, $0x3;
	s6 =	sshll.u32 s6, $0x2  }
0x9: {  	s8 =	sshrl.u32 s5, $0x1;
	s7 =	sadd.s32 s7, s4;
	s6 =	sadd.s32 s6, s4  }
0xa: {  	s8 =	ssub.s32 s5, s8;
	s4 =	sadd.s32 $0x9A00, s6;
	s5 =	sadd.s32 $0xDA00, s7  }
0xb: {  	s6 =	sadd.s32 $0xDC00, s6;
	s7 =	smax.u32 s8, $0x1;
	s8 =	simm.s32 $0x1080  }
.LBB2_1:
0xc: {  	[tilespmem:s8], [sflag:$0x2] =	stream.linear.gather [hbm4b:s4+s3], $0x1000, $0x38;
	[tilespmem:$0x2080] =	vst v63  }
0xd: {  	_ =	swait.ge [sflag:s9], $0x1000  }
0xe: {  	[sflag:s9] =	ssyncset.done $0x0  }
0xf: {  	[sflag:s9] =	ssyncadd.s32 $0xFFFFF000  }
0x10: {  	[tilespmem:s3], [sflag:$0x2] =	stream.linear.gather [hbm4b:s5+s3], $0x80, $0x38;
	[tilespmem:$0x2080] =	vst v63  }
0x11: {  	_ =	swait.ge [sflag:s9], $0x80  }
0x12: {  	[sflag:s9] =	ssyncset.done $0x0  }
0x13: {  	[sflag:s9] =	ssyncadd.s32 $0xFFFFFF80  }
0x14: {  	[tilespmem:s10], [sflag:$0x1] =	stream.indirect.gather [hbm4b:s1+s10], $0x20, s3, s10, $0xb8;
	[tilespmem:$0x2080] =	vst v63  }
0x15: {  	_ =	swait.ge [sflag:s11], $0x1000  }
0x16: {  	[sflag:s11] =	ssyncset.done $0x0  }
0x17: {  	s13 =	simm.s32 $0x0;
	[sflag:s11] =	ssyncadd.s32 $0xFFFFF000  }
0x18: {  	v0 =	vld [tilespmem:s13+$0x1080]  }
0x19: {  	v1 =	vld [tilespmem:s13+$0x1090]  }
0x1a: {  	s14 =	simm.s32 $0x80;
	v2 =	vld [tilespmem:s13+$0x80]  }
.LBB2_2:
0x1b: {  	p0 =	sne.s32 s14, $0x3F80;
	v3 =	vld [tilespmem:s13+$0x90];
	_ =	sdelay $0x3  }
0x1c: {  	v2 =	vsub.f32 v2, v0  }
.Ltmp0:
0x1d: {  	v3 =	vsub.f32 v3, v1;
	(pc) =	sbr.rel @p0 .LBB2_2-.Ltmp0, $4  }
0x1e: {  	s15 =	sshra.s32 s14, $0x2;
	v2 =	vadd.f32 v2, v0  }
0x1f: {  	v0 =	vld [tilespmem:s15+$0x1080];
	v3 =	vadd.f32 v3, v1  }
0x20: {  	v1 =	vld [tilespmem:s15+$0x1090];
	[tilespmem:s13+$0x80] =	vst v2  }
0x21: {  	s14 =	sadd.s32 $0x80, s14;
	v2 =	vld [tilespmem:s15+$0x80];
	[tilespmem:s13+$0x90] =	vst v3;
	s13 =	smov.u32 s15  }
0x22: {  	v3 =	vld [tilespmem:s13+$0x90];
	_ =	sdelay $0x3  }
0x23: {  	v2 =	vsub.f32 v2, v0  }
0x24: {  	v3 =	vsub.f32 v3, v1  }
0x25: {  	v0 =	vadd.f32 v2, v0  }
0x26: {  	s12 =	sadd.s32 $0x1, s12;
	v1 =	vadd.f32 v3, v1  }
0x27: {  	p0 =	sne.s32 s12, s7;
	[tilespmem:s13+$0x80] =	vst v0  }
.Ltmp1:
0x28: {  	[tilespmem:s13+$0x90] =	vst v1;
	(pc) =	sbr.rel @p0 .LBB2_1-.Ltmp1, $4  }
0x29: {  	[hbm4b:s6+s3] =	stream.linear.scatter [tilespmem:s10], [sflag:$0x2], $0x1000, $0x38;
	[tilespmem:$0x2080] =	vst v63  }
0x2a: {  	_ =	swait.ge [sflag:s9], $0x1000  }
0x2b: {  	[sflag:s9] =	ssyncset.done $0x0  }
0x2c: {  	[sflag:s9] =	ssyncadd.s32 $0xFFFFF000  }
0x2d: {  	_ =	sfence.sel $0x180000  }
0x2e: {  	[bflag:$0x0] =	sbarrier.arrive $0xFFFF  }
0x2f: {  	p0 =	sne.s32 s2, $0x0;
	_ =	strace $0x9000004A  }
0x30: {  	s0 =	sadd.s32 @!p0 $0x100000, s0;
	[bflag:$0x2] =	sbarrier.arrive $0xFFFF  }
0x31: {  	[sflag:s0] =	ssyncadd.tile.s32 @!p0 $0x1;
	_ =	shalt  }
.Lfunc_end2:
_tile_overlayer_lowered:
.L_overlay_start_2:
0x32: {  	(tag) =	ssettag $0x2  }
0x33: {  	s0 =	rddreg [dreg:$0x0];
	s2 =	stileid.u32  }
0x34: {  	s1 =	rddreg [dreg:$0x1];
	p0 =	sne.s32 s2, $0x0  }
0x35: {  	s3 =	rddreg [dreg:$0x2];
	[bflag:$0x3] =	sbarrier.arrive $0xFFFF;
	s2 =	simm.s32 @!p0 $0x1C02  }
0x36: {  	[timem:s3], [sflag:s2] =	dma.local @!p0 [hbm:s0], s1  }
0x37: {  	s0 =	simm.s32 @!p0 $0x2  }
0x38: {  	_ =	swait.ge @!p0 [sflag:s0], s1  }
0x39: {  	s1 =	ssub.s32 @!p0 $0x0, s1;
	[sflag:s0] =	ssyncset.done @!p0 $0x0  }
0x3a: {  	[sflag:s0] =	ssyncadd.s32 @!p0 s1  }
0x3b: {  	[bflag:$0x3] =	sbarrier.arrive $0xFFFF  }
0x3c: {  	_ =	shalt  }

// kernel: kernel.9.cloned.1.call-start
scs
__scs_entry_jumppad:
0x0: {  	(pc) =	sbr.rel $0x88, $3  }
0x1: {  	(tag) =	ssettag $0x0;
	lr =	simm.s32 $0x1  }
0x2: {  	[smem:$0x3F9F] =	sst lr;
	_ =	strace $0xD0000000  }
0x3: {  	_ = 	snop  }
0x4: {  	_ = 	snop  }
0x5: {  	_ = 	snop  }
0x6: {  	_ = 	snop  }
0x7: {  	_ = 	snop  }
__scs_overlays_trampoline_lowered:
0x8: {  	[smem:$0x3FAE] =	sst s0  }
0x9: {  	[smem:$0x3FAF] =	sst s1  }
0xa: {  	[smem:$0x3FB0] =	sst s2  }
0xb: {  	[smem:$0x3FB1] =	sst s3  }
0xc: {  	[smem:$0x3FB2] =	sst s4  }
0xd: {  	[smem:$0x3FB3] =	sst s5  }
0xe: {  	[smem:$0x3FB4] =	sst s6  }
0xf: {  	[smem:$0x3FB5] =	sst s7  }
0x10: {  	[smem:$0x3FB6] =	sst s8  }
0x11: {  	[smem:$0x3FB7] =	sst s9;
	s0 =	simm.s32 @!p0 $0x0  }
0x12: {  	s1 =	sld [smem:$0x3F9D];
	s0 =	simm.s32 @p0 $0x1  }
0x13: {  	[smem:$0x3FB8] =	sst s0;
	s0 =	simm.s32 @!p1 $0x0  }
0x14: {  	s2 =	sld [smem:$0x3F9C];
	s0 =	simm.s32 @p1 $0x1  }
0x15: {  	[smem:$0x3FB9] =	sst s0;
	s0 =	simm.s32 @!p2 $0x0  }
0x16: {  	s3 =	sld [smem:$0x3FDB];
	s0 =	simm.s32 @p2 $0x1  }
0x17: {  	s4 =	simm.s32 $0x1BF5;
	[smem:$0x3FBB] =	sst s0  }
0x18: {  	s0 =	sld [smem:$0x3F9E];
	_ =	swait.ge [sflag:s4], $0x0  }
0x19: {  	s7 =	sld [smem:$0x3F9F]  }
0x1a: {  	s8 =	sadd.s32 $0xFFFFE003, lr  }
0x1b: {  	s9 =	sadd.s32 $0xFFFFFEF7, lr;
	s5 =	simm.s32 $0xFFFFFFFF;
	p2 =	slt.u32 s8, $0xFFFFF086  }
0x1c: {  	p1 =	slt.u32 s9, $0xF7A;
	s5 =	simm.s32 @!p2 $0x0  }
0x1d: {  	s5 =	simm.s32 @p1 $0x1;
	p0 =	seq.s32 s7, s2  }
0x1e: {  	s7 =	smul.u32 @!p0 $0xF7A, s2;
	p2 =	seq.s32 @!p0 s5, $0x0  }
0x1f: {  	s9 =	smul.u32 $0xF7A, s1;
	s8 =	simm.s32 @!p0 $0x1BF5;
	p2 =	por !p2, p0  }
0x20: {  	[sflag:s8] =	ssyncset.s32 @!p0 $0xFFFFF086;
	s6 =	sadd.s32 @!p0 s3, s7;
	s7 =	simm.s32 @!p0 $0x108  }
0x21: {  	s3 =	sadd.s32 s3, s9;
	s6 =	sadd.s32 @!p0 $0x88, s6;
	s7 =	simm.s32 @p2 $0x1082  }
0x22: {  	[simem:s7], [sflag:s8] =	dma.local @!p0 [hbm:s6], $0xF7A  }
0x23: {  	s9 =	sor.u32 $0xD0000000, s2;
	s6 =	simm.s32 $0x108;
	_ =	swait.ge @!p0 [sflag:s8], $0x0  }
0x24: {  	s3 =	sadd.s32 $0x88, s3;
	s6 =	simm.s32 @!p1 $0x1082;
	[sflag:s4] =	ssyncset.s32 $0xFFFFF086  }
0x25: {  	[simem:s6], [sflag:s4] =	dma.local [hbm:s3], $0xF7A  }
0x26: {  	[smem:$0x3F9F] =	sst s1;
	(tag) =	ssettag s2;
	_ =	strace s9  }
0x27: {  	s1 =	sld [smem:$0x3FAF]  }
0x28: {  	s2 =	sld [smem:$0x3FB0]  }
0x29: {  	s4 =	sld [smem:$0x3FB2]  }
0x2a: {  	p0 =	seq.s32 s5, $0x0;
	s5 =	sld [smem:$0x3FB3]  }
0x2b: {  	s6 =	sld [smem:$0x3FB4]  }
0x2c: {  	s7 =	sld [smem:$0x3FB5]  }
0x2d: {  	s3 =	simm.s32 $0x108;
	s8 =	sld [smem:$0x3FB6]  }
0x2e: {  	s3 =	simm.s32 @!p0 $0x1082;
	s9 =	sld [smem:$0x3FB7]  }
0x2f: {  	lr =	sadd.s32 s0, s3;
	s0 =	sld [smem:$0x3FAE]  }
0x30: {  	s3 =	sld [smem:$0x3FB1]  }
0x31: {  	[smem:$0x3FBA] =	sst s10  }
0x32: {  	s10 =	sld [smem:$0x3FB8];
	_ =	sdelay $0x3  }
0x33: {  	p0 =	seq.s32 s10, $0x1;
	s10 =	sld [smem:$0x3FBA];
	_ =	sdelay $0x3  }
0x34: {  	[smem:$0x3FBA] =	sst s10  }
0x35: {  	s10 =	sld [smem:$0x3FB9];
	_ =	sdelay $0x3  }
0x36: {  	p1 =	seq.s32 s10, $0x1;
	s10 =	sld [smem:$0x3FBA];
	_ =	sdelay $0x3  }
0x37: {  	[smem:$0x3FBA] =	sst s10  }
0x38: {  	s10 =	sld [smem:$0x3FBB]  }
0x39: {  	_ = 	snop;
	(pc) =	sbr.ind lr, $3  }
0x3a: {  	_ = 	snop  }
0x3b: {  	_ = 	snop  }
0x3c: {  	p2 =	seq.s32 s10, $0x1;
	s10 =	sld [smem:$0x3FBA]  }
0x3d: {  	_ =	shalt  }
0x3e: {  	_ =	shalt  }
0x3f: {  	_ =	shalt  }
0x40: {  	_ =	shalt  }
0x41: {  	_ =	shalt  }
0x42: {  	_ =	shalt  }
0x43: {  	_ =	shalt  }
0x44: {  	_ =	shalt  }
0x45: {  	_ =	shalt  }
0x46: {  	_ =	shalt  }
0x47: {  	_ =	shalt  }
0x48: {  	_ =	shalt  }
0x49: {  	_ =	shalt  }
0x4a: {  	_ =	shalt  }
0x4b: {  	_ =	shalt  }
0x4c: {  	_ =	shalt  }
0x4d: {  	_ =	shalt  }
0x4e: {  	_ =	shalt  }
0x4f: {  	_ =	shalt  }
0x50: {  	_ =	shalt  }
0x51: {  	_ =	shalt  }
0x52: {  	_ =	shalt  }
0x53: {  	_ =	shalt  }
0x54: {  	_ =	shalt  }
0x55: {  	_ =	shalt  }
0x56: {  	_ =	shalt  }
0x57: {  	_ =	shalt  }
0x58: {  	_ =	shalt  }
0x59: {  	_ =	shalt  }
0x5a: {  	_ =	shalt  }
0x5b: {  	_ =	shalt  }
0x5c: {  	_ =	shalt  }
0x5d: {  	_ =	shalt  }
0x5e: {  	_ =	shalt  }
0x5f: {  	_ =	shalt  }
0x60: {  	_ =	shalt  }
0x61: {  	_ =	shalt  }
0x62: {  	_ =	shalt  }
0x63: {  	_ =	shalt  }
0x64: {  	_ =	shalt  }
0x65: {  	_ =	shalt  }
0x66: {  	_ =	shalt  }
0x67: {  	_ =	shalt  }
0x68: {  	_ =	shalt  }
0x69: {  	_ =	shalt  }
0x6a: {  	_ =	shalt  }
0x6b: {  	_ =	shalt  }
0x6c: {  	_ =	shalt  }
0x6d: {  	_ =	shalt  }
0x6e: {  	_ =	shalt  }
0x6f: {  	_ =	shalt  }
0x70: {  	_ =	shalt  }
0x71: {  	_ =	shalt  }
0x72: {  	_ =	shalt  }
0x73: {  	_ =	shalt  }
0x74: {  	_ =	shalt  }
0x75: {  	_ =	shalt  }
0x76: {  	_ =	shalt  }
0x77: {  	_ =	shalt  }
0x78: {  	_ =	shalt  }
0x79: {  	_ =	shalt  }
0x7a: {  	_ =	shalt  }
0x7b: {  	_ =	shalt  }
0x7c: {  	_ =	shalt  }
0x7d: {  	_ =	shalt  }
0x7e: {  	_ =	shalt  }
0x7f: {  	_ =	shalt  }
0x80: {  	_ =	shalt  }
0x81: {  	_ =	shalt  }
0x82: {  	_ =	shalt  }
0x83: {  	_ =	shalt  }
0x84: {  	_ =	shalt  }
0x85: {  	_ =	shalt  }
0x86: {  	_ =	shalt  }
0x87: {  	_ =	shalt  }
.Lfunc_end0:
.L_simem_size_0:
called_computation.1_lowered:
.L_overlay_start_0:
0x88: {  	s2 =	sld [smem:$0x3FD9]  }
0x89: {  	s3 =	sld [smem:$0x3FFE];
	_ =	sdelay $0x1  }
0x8a: {  	s1 =	srdreg.scid  }
0x8b: {  	s0 =	sand.u32 $0x1, s1  }
0x8c: {  	s14 =	sshll.u32 s0, $0xA;
	s2 =	sadd.s32 s3, s2  }
0x8d: {  	s2 =	sadd.s32 s2, s14  }
0x8e: {  	[smem:$0x3FC6] =	sst s2  }
0x8f: {  	_ = 	snop  }
0x90: {  	s2 =	sld [smem:$0x3FD0];
	_ =	sdelay $0x2  }
0x91: {  	s15 =	simm.s32 $0xB;
	s4 =	simm.s32 $0x10  }
0x92: {  	[smem:s4], [sflag:s15] =	dma.local [hbm:s2], $0x1  }
0x93: {  	_ =	swait.eq [sflag:s15], $0x1  }
0x94: {  	[sflag:s15] =	ssyncset.done $0x0  }
0x95: {  	[sflag:s15] =	ssyncadd.s32 $0xFFFFFFFF  }
0x96: {  	s16 =	sld [smem:$0x10];
	(tm) =	ssettm $0x1  }
0x97: {  	s17 =	sld [smem:$0x3FFB];
	_ =	sdelay $0x3  }
0x98: {  	_ =	strace s17  }
0x99: {  	s3 =	sld [smem:$0x3FFC];
	_ =	sdelay $0x3  }
0x9a: {  	_ =	strace s3  }
0x9b: {  	s3 =	sld [smem:$0x3FFD];
	_ =	sdelay $0x3  }
0x9c: {  	_ =	strace s3  }
0x9d: {  	_ =	strace $0x8FFFFFFF  }
0x9e: {  	s18 =	sld [smem:$0x3FDB];
	_ =	sdelay $0x1  }
0x9f: {  	s19 =	simm.s32 $_scs_section_size  }
0xa0: {  	s5 =	simm.s32 $_size__tile_overlayer_lowered;
	s6 =	simm.s32 $_tile_overlayer_lowered  }
0xa1: {  	s22 =	simm.s32 $0x1BFF;
	s21 =	sshll.u32 s6, $0x1;
	s3 =	sadd.s32 s19, s18  }
0xa2: {  	s7 =	simm.s32 $0x0;
	s20 =	sshll.u32 s5, $0x1;
	s5 =	sadd.s32 s21, s3  }
0xa3: {  	[timem:s7], [sflag:s22] =	dma.local [hbm:s5], s20  }
0xa4: {  	_ =	swait.ge [sflag:s22], s20  }
0xa5: {  	s4 =	ssub.s32 $0x0, s20;
	[sflag:s22] =	ssyncset.done $0x0  }
0xa6: {  	[sflag:s22] =	ssyncadd.s32 s4;
	_ =	sdelay $0x1  }
0xa7: {  	s23 =	simm.s32 $0x1B8B  }
0xa8: {  	_ =	swait.ge [sflag:s23], $0x1  }
0xa9: {  	[sflag:s23] =	ssyncset.done $0x0  }
0xaa: {  	s25 =	simm.s32 $0x1B8E;
	s24 =	sld [smem:$0x3FFE];
	[sflag:s23] =	ssyncadd.s32 $0xFFFFFFFF  }
0xab: {  	s26 =	simm.s32 $execute0_lowered;
	[smem:$0x3FD2] =	sst s25  }
0xac: {  	s5 =	sshll.u32 s26, $0x1;
	_ =	strace $0x80000046;
	[dreg:$0x1] =	wrdreg $0xFFFFFFFF  }
0xad: {  	s28 =	simm.s32 $_size_execute0_lowered;
	s3 =	sadd.s32 s3, s5;
	[dreg:$0x0] =	wrdreg $0x0  }
0xae: {  	s5 =	sshll.u32 s28, $0x1;
	[dreg:$0x2] =	wrdreg s3  }
0xaf: {  	[dreg:$0x3] =	wrdreg s5  }
0xb0: {  	[dreg:$0x4] =	wrdreg $0xC0  }
0xb1: {  	_ =	task [dreg:s7], $0x5FFFF  }
0xb2: {  	[dreg:$0x1] =	wrdreg $0xFFFFFFFF  }
0xb3: {  	[dreg:$0x0] =	wrdreg $0x60  }
0xb4: {  	[dreg:$0x2] =	wrdreg s16  }
0xb5: {  	[dreg:$0x3] =	wrdreg s24  }
0xb6: {  	[dreg:$0x4] =	wrdreg $0xA  }
0xb7: {  	_ =	task.clear_ibuf [dreg:s7], $0x5FFFF;
	_ =	strace $0x90000046  }
0xb8: {  	s29 =	simm.s32 $0xA;
	_ =	strace $0x80000048  }
0xb9: {  	_ =	swait.ge [sflag:s29], $0x1  }
0xba: {  	[sflag:s29] =	ssyncadd.s32 $0xFFFFFFFF  }
0xbb: {  	_ =	strace $0x90000048  }
0xbc: {  	_ =	sfence  }
0xbd: {  	s30 =	sld [smem:$0x0];
	_ =	sdelay $0x2  }
0xbe: {  	s31 =	sshll.u32 s1, $0xD;
	s1 =	sshrl.u32 s1, $0x2  }
0xbf: {  	s3 =	sand.u32 $0x4000, s31;
	s1 =	sadd.s32 s1, s30  }
0xc0: {  	s0 =	sor.u32 s3, s0;
	s1 =	sshll.u32 s1, $0x11  }
0xc1: {  	s0 =	sor.u32 s1, s0  }
0xc2: {  	s0 =	sadd.s32 $0x8F2B, s0  }
0xc3: {  	[sflag:s0] =	ssyncadd.remote.s32 $0x1  }
0xc4: {  	_ =	sfence.sel $0xFFFF  }
0xc5: {  	[dreg:$0x0] =	wrdreg $0xFFFFFFFF;
	(pc) =	sbr.abs _section_cstart, $3  }
0xc6: {  	[dreg:$0x1] =	wrdreg $0xFFFFFFFF  }
0xc7: {  	_ =	task.clear_ibuf [dreg:s7], $0x2FFFF;
	_ =	strace $0x9FFFFFFF  }
0xc8: {  	(tm) =	ssettm $0x7FFFFFFF  }
0xc9: {  	_ =	shalt  }
tec
execute0_lowered:
.L_overlay_start_1:
0x0: {  	(tag) =	ssettag $0x1  }
0x1: {  	s1 =	rddreg [dreg:$0x0]  }
0x2: {  	s4 =	rddreg [dreg:$0x1]  }
0x3: {  	s0 =	rddreg [dreg:$0x2];
	s5 =	srdreg.scid  }
0x4: {  	s3 =	simm.s32 $0x0;
	s2 =	stileid.u32;
	s9 =	simm.s32 $0x2  }
0x5: {  	s10 =	simm.s32 $0x80;
	s11 =	simm.s32 $0x1;
	s5 =	sand.u32 $0x1, s5  }
0x6: {  	[smem:$0x7FF] =	sst s3;
	s6 =	sshll.u32 s2, $0x8;
	s7 =	sshll.u32 s5, $0x7  }
0x7: {  	s12 =	simm.s32 $0x0;
	_ =	strace $0x80000047;
	s6 =	sor.u32 s7, s6  }
0x8: {  	s5 =	ssub.s32 $0x2, s5;
	s7 =	sshrl.u32 s6, $0x3;
	s6 =	sshll.u32 s6, $0x2  }
0x9: {  	s8 =	sshrl.u32 s5, $0x1;
	s7 =	sadd.s32 s7, s4;
	s6 =	sadd.s32 s6, s4  }
0xa: {  	s8 =	ssub.s32 s5, s8;
	s4 =	sadd.s32 $0x1800, s6;
	s5 =	sadd.s32 $0x5800, s7  }
0xb: {  	s6 =	sadd.s32 $0x5A00, s6;
	s7 =	smax.u32 s8, $0x1;
	s8 =	simm.s32 $0x1080  }
.LBB2_1:
0xc: {  	[tilespmem:s8], [sflag:$0x2] =	stream.linear.gather [hbm4b:s4+s3], $0x1000, $0x38;
	[tilespmem:$0x2080] =	vst v63  }
0xd: {  	_ =	swait.ge [sflag:s9], $0x1000  }
0xe: {  	[sflag:s9] =	ssyncset.done $0x0  }
0xf: {  	[sflag:s9] =	ssyncadd.s32 $0xFFFFF000  }
0x10: {  	[tilespmem:s3], [sflag:$0x2] =	stream.linear.gather [hbm4b:s5+s3], $0x80, $0x38;
	[tilespmem:$0x2080] =	vst v63  }
0x11: {  	_ =	swait.ge [sflag:s9], $0x80  }
0x12: {  	[sflag:s9] =	ssyncset.done $0x0  }
0x13: {  	[sflag:s9] =	ssyncadd.s32 $0xFFFFFF80  }
0x14: {  	[tilespmem:s10], [sflag:$0x1] =	stream.indirect.gather [hbm4b:s1+s10], $0x20, s3, s10, $0xb8;
	[tilespmem:$0x2080] =	vst v63  }
0x15: {  	_ =	swait.ge [sflag:s11], $0x1000  }
0x16: {  	[sflag:s11] =	ssyncset.done $0x0  }
0x17: {  	s13 =	simm.s32 $0x0;
	[sflag:s11] =	ssyncadd.s32 $0xFFFFF000  }
0x18: {  	v0 =	vld [tilespmem:s13+$0x1080]  }
0x19: {  	v1 =	vld [tilespmem:s13+$0x1090]  }
0x1a: {  	s14 =	simm.s32 $0x80;
	v2 =	vld [tilespmem:s13+$0x80]  }
.LBB2_2:
0x1b: {  	p0 =	sne.s32 s14, $0x3F80;
	v3 =	vld [tilespmem:s13+$0x90];
	_ =	sdelay $0x3  }
0x1c: {  	v2 =	vsub.f32 v2, v0  }
.Ltmp0:
0x1d: {  	v3 =	vsub.f32 v3, v1;
	(pc) =	sbr.rel @p0 .LBB2_2-.Ltmp0, $4  }
0x1e: {  	s15 =	sshra.s32 s14, $0x2;
	v2 =	vadd.f32 v2, v0  }
0x1f: {  	v0 =	vld [tilespmem:s15+$0x1080];
	v3 =	vadd.f32 v3, v1  }
0x20: {  	v1 =	vld [tilespmem:s15+$0x1090];
	[tilespmem:s13+$0x80] =	vst v2  }
0x21: {  	s14 =	sadd.s32 $0x80, s14;
	v2 =	vld [tilespmem:s15+$0x80];
	[tilespmem:s13+$0x90] =	vst v3;
	s13 =	smov.u32 s15  }
0x22: {  	v3 =	vld [tilespmem:s13+$0x90];
	_ =	sdelay $0x3  }
0x23: {  	v2 =	vsub.f32 v2, v0  }
0x24: {  	v3 =	vsub.f32 v3, v1  }
0x25: {  	v0 =	vadd.f32 v2, v0  }
0x26: {  	s12 =	sadd.s32 $0x1, s12;
	v1 =	vadd.f32 v3, v1  }
0x27: {  	p0 =	sne.s32 s12, s7;
	[tilespmem:s13+$0x80] =	vst v0  }
.Ltmp1:
0x28: {  	[tilespmem:s13+$0x90] =	vst v1;
	(pc) =	sbr.rel @p0 .LBB2_1-.Ltmp1, $4  }
0x29: {  	[hbm4b:s6+s3] =	stream.linear.scatter [tilespmem:s10], [sflag:$0x2], $0x1000, $0x38;
	[tilespmem:$0x2080] =	vst v63  }
0x2a: {  	_ =	swait.ge [sflag:s9], $0x1000  }
0x2b: {  	[sflag:s9] =	ssyncset.done $0x0  }
0x2c: {  	[sflag:s9] =	ssyncadd.s32 $0xFFFFF000  }
0x2d: {  	_ =	sfence.sel $0x180000  }
0x2e: {  	[bflag:$0x0] =	sbarrier.arrive $0xFFFF  }
0x2f: {  	p0 =	sne.s32 s2, $0x0;
	_ =	strace $0x90000047  }
0x30: {  	s0 =	sadd.s32 @!p0 $0x100000, s0;
	[bflag:$0x2] =	sbarrier.arrive $0xFFFF  }
0x31: {  	[sflag:s0] =	ssyncadd.tile.s32 @!p0 $0x1;
	_ =	shalt  }
.Lfunc_end2:
_tile_overlayer_lowered:
.L_overlay_start_2:
0x32: {  	(tag) =	ssettag $0x2  }
0x33: {  	s0 =	rddreg [dreg:$0x0];
	s2 =	stileid.u32  }
0x34: {  	s1 =	rddreg [dreg:$0x1];
	p0 =	sne.s32 s2, $0x0  }
0x35: {  	s3 =	rddreg [dreg:$0x2];
	[bflag:$0x3] =	sbarrier.arrive $0xFFFF;
	s2 =	simm.s32 @!p0 $0x1C02  }
0x36: {  	[timem:s3], [sflag:s2] =	dma.local @!p0 [hbm:s0], s1  }
0x37: {  	s0 =	simm.s32 @!p0 $0x2  }
0x38: {  	_ =	swait.ge @!p0 [sflag:s0], s1  }
0x39: {  	s1 =	ssub.s32 @!p0 $0x0, s1;
	[sflag:s0] =	ssyncset.done @!p0 $0x0  }
0x3a: {  	[sflag:s0] =	ssyncadd.s32 @!p0 s1  }
0x3b: {  	[bflag:$0x3] =	sbarrier.arrive $0xFFFF  }
0x3c: {  	_ =	shalt  }

</sc_bundles>
